<compile_context>
chip_gen: v7x
topology: tpu7x:2x2x1
jax: 0.10.2.dev20260603
libtpu: 0.0.44.dev20260713+nightly
codegen_flags: <defaults>
</compile_context>

<pallas_src>
import functools

import jax
import jax.numpy as jnp
from jax import lax
from jax.experimental import pallas as pl
from jax.experimental.pallas import tpu as pltpu
from jax.experimental.pallas import tpu_sc as plsc

NC = 2
NS = 16
NW = NC * NS
LANES = 16
_K = 80
_ZC = 128


def _mesh():
    return plsc.VectorSubcoreMesh(core_axis_name="c", subcore_axis_name="s",
                                  num_cores=NC, num_subcores=NS)


def _sc_deg_body(n, e, d, src_hbm, deg_hbm, ibuf, ones_v, zbuf, acc):
    cid = lax.axis_index("c")
    sid = lax.axis_index("s")
    wid = cid * NS + sid
    ept = e // NW

    zeros = jnp.zeros((LANES,), jnp.float32)
    ones = jnp.ones((LANES,), jnp.float32)

    def f0(r, _):
        for j in range(d // LANES):
            ones_v[r, pl.ds(j * LANES, LANES)] = ones
        return 0

    lax.fori_loop(0, _K, f0, 0)

    def f1(r, _):
        for j in range(d // LANES):
            zbuf[r, pl.ds(j * LANES, LANES)] = zeros
        return 0

    lax.fori_loop(0, _ZC, f1, 0)

    nfull = n // _ZC
    nrounds = (nfull + NS - 1) // NS

    def z2(j, _):
        k = j * NS + sid

        @pl.when(k < nfull)
        def _():
            pltpu.sync_copy(zbuf, acc.at[pl.ds(k * _ZC, _ZC)])

        return 0

    lax.fori_loop(0, nrounds, z2, 0)
    tail = n - nfull * _ZC
    if tail:
        @pl.when(sid == NS - 1)
        def _():
            pltpu.sync_copy(zbuf.at[pl.ds(0, tail)],
                            acc.at[pl.ds(nfull * _ZC, tail)])
    plsc.subcore_barrier()

    def eb(b, _):
        base = wid * ept + b * _K
        pltpu.sync_copy(src_hbm.at[pl.ds(base, _K)], ibuf.at[0])
        pltpu.sync_copy(ones_v, acc.at[ibuf.at[0]], add=True)
        return 0

    lax.fori_loop(0, ept // _K, eb, 0)
    plsc.subcore_barrier()

    rpt = (n // NS) & ~7
    pltpu.sync_copy(acc.at[pl.ds(sid * rpt, rpt)],
                    deg_hbm.at[cid, pl.ds(sid * rpt, rpt)])
    wtail = n - NS * rpt
    if wtail:
        @pl.when(sid == NS - 1)
        def _():
            pltpu.sync_copy(acc.at[pl.ds(NS * rpt, wtail)],
                            deg_hbm.at[cid, pl.ds(NS * rpt, wtail)])


def _sc_deg(src, n, d=128):
    e = src.shape[0]
    return pl.kernel(
        functools.partial(_sc_deg_body, n, e, d),
        out_type=jax.ShapeDtypeStruct((NC, n, d), jnp.float32),
        mesh=_mesh(),
        scratch_types=[
            pltpu.VMEM((2, _K), jnp.int32),
            pltpu.VMEM((_K, d), jnp.float32),
            pltpu.VMEM((_ZC, d), jnp.float32),
            pltpu.VMEM_SHARED((n, d), jnp.float32),
        ],
    )(src)


def _sc_edge_body(n, e, d, src_hbm, dst_hbm, feat_hbm, out_hbm,
                  ibuf, rows, zbuf, acc):
    cid = lax.axis_index("c")
    sid = lax.axis_index("s")
    ept = e // NW

    zeros = jnp.zeros((LANES,), jnp.float32)

    def z1(r, _):
        for j in range(d // LANES):
            zbuf[r, pl.ds(j * LANES, LANES)] = zeros
        return 0

    lax.fori_loop(0, _ZC, z1, 0)

    nfull = n // _ZC
    nrounds = (nfull + NS - 1) // NS

    def z2(j, _):
        k = j * NS + sid

        @pl.when(k < nfull)
        def _():
            pltpu.sync_copy(zbuf, acc.at[pl.ds(k * _ZC, _ZC)])

        return 0

    lax.fori_loop(0, nrounds, z2, 0)
    tail = n - nfull * _ZC
    if tail:
        @pl.when(sid == NS - 1)
        def _():
            pltpu.sync_copy(zbuf.at[pl.ds(0, tail)],
                            acc.at[pl.ds(nfull * _ZC, tail)])
    plsc.subcore_barrier()

    e0 = cid * (e // NC) + sid * ept

    def eb(b, _):
        base = e0 + b * _K
        pltpu.sync_copy(src_hbm.at[pl.ds(base, _K)], ibuf.at[0])
        pltpu.sync_copy(dst_hbm.at[pl.ds(base, _K)], ibuf.at[1])
        pltpu.sync_copy(feat_hbm.at[ibuf.at[0]], rows)
        pltpu.sync_copy(rows, acc.at[ibuf.at[1]], add=True)
        return 0

    lax.fori_loop(0, ept // _K, eb, 0)
    plsc.subcore_barrier()

    rpt = (n // NS) & ~7
    pltpu.sync_copy(acc.at[pl.ds(sid * rpt, rpt)],
                    out_hbm.at[cid, pl.ds(sid * rpt, rpt)])
    wtail = n - NS * rpt
    if wtail:
        @pl.when(sid == NS - 1)
        def _():
            pltpu.sync_copy(acc.at[pl.ds(NS * rpt, wtail)],
                            out_hbm.at[cid, pl.ds(NS * rpt, wtail)])


def _sc_edge(src, dst, feat):
    n, d = feat.shape
    e = src.shape[0]
    return pl.kernel(
        functools.partial(_sc_edge_body, n, e, d),
        out_type=jax.ShapeDtypeStruct((NC, n, d), jnp.float32),
        mesh=_mesh(),
        scratch_types=[
            pltpu.VMEM((2, _K), jnp.int32),
            pltpu.VMEM((_K, d), jnp.float32),
            pltpu.VMEM((_ZC, d), jnp.float32),
            pltpu.VMEM_SHARED((n, d), jnp.float32),
        ],
    )(src, dst, feat)


def _dis_from_parts(deg_ref):
    deg = jnp.sum(deg_ref[...], axis=1)
    return jnp.where(deg > 0, lax.rsqrt(jnp.maximum(deg, 1e-12)), 0.0)


def _tc_prep_body(deg_ref, x_ref, w0_ref, xs_ref, xw0_ref):
    dis = _dis_from_parts(deg_ref)
    xb = x_ref[...]
    xs_ref[...] = xb * dis[:, None]
    xw0_ref[...] = jnp.dot(xb, w0_ref[...], preferred_element_type=jnp.float32)


def _tc_l1_body(deg_ref, xw0_ref, s_ref, w1_ref, b1_ref, w02_ref,
                hs_ref, hw2_ref):
    dis = _dis_from_parts(deg_ref)
    s = s_ref[0] + s_ref[1]
    t = jnp.dot(s, w1_ref[...], preferred_element_type=jnp.float32)
    h = jnp.maximum(xw0_ref[...] - dis[:, None] * t + b1_ref[...], 0.0)
    hs_ref[...] = h * dis[:, None]
    hw2_ref[...] = jnp.dot(h, w02_ref[...], preferred_element_type=jnp.float32)


def _tc_l2_body(deg_ref, hw2_ref, q_ref, w1_ref, b2_ref, out_ref):
    dis = _dis_from_parts(deg_ref)
    q = q_ref[0] + q_ref[1]
    t = jnp.dot(q, w1_ref[...], preferred_element_type=jnp.float32)
    out_ref[...] = jnp.maximum(hw2_ref[...] - dis[:, None] * t + b2_ref[...],
                               0.0)


_R = 2000


def _row_spec(d):
    return pl.BlockSpec((_R, d), lambda i: (i, 0))


def _full_spec(shape):
    ndim = len(shape)
    return pl.BlockSpec(shape, lambda i: (0,) * ndim)


def _tc_prep(deg_parts, x, w0):
    n, d = x.shape
    grid = (n // _R,)
    return pl.pallas_call(
        _tc_prep_body,
        grid=grid,
        in_specs=[
            pl.BlockSpec((_R, NC), lambda i: (i, 0)),
            _row_spec(d),
            _full_spec(w0.shape),
        ],
        out_specs=[_row_spec(d), _row_spec(d)],
        out_shape=[jax.ShapeDtypeStruct((n, d), jnp.float32)] * 2,
    )(deg_parts, x, w0)


def _tc_l1(deg_parts, xw0, s, w1, b1, w02):
    n, d = xw0.shape
    grid = (n // _R,)
    return pl.pallas_call(
        _tc_l1_body,
        grid=grid,
        in_specs=[
            pl.BlockSpec((_R, NC), lambda i: (i, 0)),
            _row_spec(d),
            pl.BlockSpec((NC, _R, d), lambda i: (0, i, 0)),
            _full_spec(w1.shape),
            _full_spec(b1.shape),
            _full_spec(w02.shape),
        ],
        out_specs=[_row_spec(d), _row_spec(d)],
        out_shape=[jax.ShapeDtypeStruct((n, d), jnp.float32)] * 2,
    )(deg_parts, xw0, s, w1, b1, w02)


def _tc_l2(deg_parts, hw2, q, w1, b2):
    n, d = hw2.shape
    grid = (n // _R,)
    return pl.pallas_call(
        _tc_l2_body,
        grid=grid,
        in_specs=[
            pl.BlockSpec((_R, NC), lambda i: (i, 0)),
            _row_spec(d),
            pl.BlockSpec((NC, _R, d), lambda i: (0, i, 0)),
            _full_spec(w1.shape),
            _full_spec(b2.shape),
        ],
        out_specs=_row_spec(d),
        out_shape=jax.ShapeDtypeStruct((n, d), jnp.float32),
    )(deg_parts, hw2, q, w1, b2)


def kernel(x, adj, W0_1, W1_1, b1, W0_2, W1_2, b2):
    n, d = x.shape
    adj = adj.astype(jnp.int32)
    src, dst = adj[0], adj[1]
    deg_parts = _sc_deg(src, n)[:, :, 0].T
    xs, xw0 = _tc_prep(deg_parts, x, W0_1)
    s = _sc_edge(src, dst, xs)
    hs, hw2 = _tc_l1(deg_parts, xw0, s, W1_1, b1.reshape(1, -1), W0_2)
    q = _sc_edge(src, dst, hs)
    return _tc_l2(deg_parts, hw2, q, W1_2, b2.reshape(1, -1))

# --- scband reference (transcript-rebuilt; emitter-appended) ---
"""Pipeline reference for scband-gcn-17806934409891 (READ-ONLY COPY).

The authoritative reference and input builder live on the scoring server;
editing this copy changes nothing except your own understanding.
"""

import jax, jax.numpy as jnp
import numpy as np

N = 10000
E = 320000
D_IN = 128
D_HID = 128
D_OUT = 128


def setup_inputs(seed: int = 0) -> dict:
    key = jax.random.key(seed)
    ks = jax.random.split(key, 9)
    x = jax.random.normal(ks[0], (N, D_IN), dtype=jnp.float32)
    adj = jax.random.randint(ks[1], (2, E), 0, N)
    s1 = 1.0 / np.sqrt(D_IN)
    s2 = 1.0 / np.sqrt(D_HID)
    W0_1 = jax.random.normal(ks[2], (D_IN, D_HID), dtype=jnp.float32) * s1
    W1_1 = jax.random.normal(ks[3], (D_IN, D_HID), dtype=jnp.float32) * s1
    b1 = jax.random.normal(ks[4], (D_HID,), dtype=jnp.float32) * 0.01
    W0_2 = jax.random.normal(ks[5], (D_HID, D_OUT), dtype=jnp.float32) * s2
    W1_2 = jax.random.normal(ks[6], (D_HID, D_OUT), dtype=jnp.float32) * s2
    b2 = jax.random.normal(ks[7], (D_OUT,), dtype=jnp.float32) * 0.01
    return {"x": x, "adj": adj, "W0_1": W0_1, "W1_1": W1_1, "b1": b1, "W0_2": W0_2, "W1_2": W1_2, "b2": b2}


def _cheb_norm(adj, n, dtype):
    # ChebConv K=2, normalization='sym', lambda_max=2:
    # scaled Laplacian L_hat = L - I = -D^{-1/2} A D^{-1/2}
    src = adj[0]
    dst = adj[1]
    deg = jnp.zeros((n,), dtype=dtype).at[src].add(jnp.ones((src.shape[0],), dtype=dtype))
    deg_inv_sqrt = jnp.where(deg > 0, jax.lax.rsqrt(jnp.maximum(deg, 1e-12)), 0.0)
    w = -deg_inv_sqrt[src] * deg_inv_sqrt[dst]
    return src, dst, w


def _cheb_conv(x, src, dst, w, W0, W1, b, n):
    # Tx_0 = x ; Tx_1 = L_hat @ x (message: w_e * x[src], aggregated at dst)
    Tx1 = jax.ops.segment_sum(w[:, None] * x[src], dst, num_segments=n)
    return x @ W0 + Tx1 @ W1 + b


def reference(x, adj, W0_1, W1_1, b1, W0_2, W1_2, b2):
    n = x.shape[0]
    src, dst, w = _cheb_norm(adj, n, x.dtype)
    h = _cheb_conv(x, src, dst, w, W0_1, W1_1, b1, n)
    h = jax.nn.relu(h)
    out = _cheb_conv(h, src, dst, w, W0_2, W1_2, b2, n)
    out = jax.nn.relu(out)
    return out

if __name__ == "__main__":
    import jax
    _d = setup_inputs()
    print(jax.jit(kernel)(*tuple(_d.values())))

</pallas_src>

<mosaic_0001>
#map = affine_map<(d0, d1) -> (0)>
#map1 = affine_map<(d0, d1) -> (0, 0)>
#map2 = affine_map<(d0, d1) -> (0, 0, 0)>
module attributes {stable_mosaic.version = 14 : i64} {
  func.func @_sc_edge_body(%arg0: i32, %arg1: i32, %arg2: memref<320000xi32, #tpu.memory_space<hbm>>, %arg3: memref<320000xi32, #tpu.memory_space<hbm>>, %arg4: memref<10000x128xf32, #tpu.memory_space<hbm>>, %arg5: memref<2x10000x128xf32, #tpu.memory_space<hbm>>, %arg6: memref<2x80xi32, #tpu.memory_space<vmem>>, %arg7: memref<80x128xf32, #tpu.memory_space<vmem>>, %arg8: memref<128x128xf32, #tpu.memory_space<vmem>>, %arg9: memref<10000x128xf32, #tpu.memory_space<vmem_shared>>) attributes {dimension_semantics = [#tpu.dimension_semantics<core_parallel>, #tpu.dimension_semantics<subcore_parallel>], iteration_bounds = array<i64: 2, 16>, scalar_prefetch = 0 : i64, scratch_operands = 4 : i64, tpu.core_type = #tpu.core_type<sc_vector_subcore>, window_params = [{transform_indices = #map}, {transform_indices = #map}, {transform_indices = #map1}, {transform_indices = #map2}]} {
    %broadcast_in_dim3A = arith.constant 0.000000e+00 : f32
    %broadcast_in_dim3A_0 = vector.broadcast %broadcast_in_dim3A : f32 to vector<16xf32>
    %scan3A = arith.constant 0 : i32
    %scan3A_1 = arith.constant 0 : i32
    %scan3A_2 = arith.constant 128 : i32
    %scan3A_3 = arith.addi %scan3A_1, %scan3A_2 : i32
    %scan3A_4 = arith.constant 1 : i32
    %scan3A_5 = scf.for %scan3A_36 = %scan3A_1 to %scan3A_3 step %scan3A_4 iter_args(%scan3A_37 = %scan3A) -> (i32)  : i32 {
      %swap3A = arith.index_cast %scan3A_36 : i32 to index
      %swap3A_38 = arith.constant 0 : index
      %swap3A_39 = tpu.vector_load %arg8[%swap3A, %swap3A_38] {strides = array<i32>} : memref<128x128xf32, #tpu.memory_space<vmem>>, vector<1x16xf32>,
      %swap3A_40 = vector.shape_cast %swap3A_39 : vector<1x16xf32> to vector<16xf32>
      %swap3A_41 = vector.shape_cast %broadcast_in_dim3A_0 : vector<16xf32> to vector<1x16xf32>
      tpu.vector_store %arg8[%swap3A, %swap3A_38], %swap3A_41 {strides = array<i32>} : memref<128x128xf32, #tpu.memory_space<vmem>>, vector<1x16xf32>,
      %swap3A_42 = arith.index_cast %scan3A_36 : i32 to index
      %swap3A_43 = arith.constant 16 : index
      %swap3A_44 = tpu.vector_load %arg8[%swap3A_42, %swap3A_43] {strides = array<i32>} : memref<128x128xf32, #tpu.memory_space<vmem>>, vector<1x16xf32>,
      %swap3A_45 = vector.shape_cast %swap3A_44 : vector<1x16xf32> to vector<16xf32>
      %swap3A_46 = vector.shape_cast %broadcast_in_dim3A_0 : vector<16xf32> to vector<1x16xf32>
      tpu.vector_store %arg8[%swap3A_42, %swap3A_43], %swap3A_46 {strides = array<i32>} : memref<128x128xf32, #tpu.memory_space<vmem>>, vector<1x16xf32>,
      %swap3A_47 = arith.index_cast %scan3A_36 : i32 to index
      %swap3A_48 = arith.constant 32 : index
      %swap3A_49 = tpu.vector_load %arg8[%swap3A_47, %swap3A_48] {strides = array<i32>} : memref<128x128xf32, #tpu.memory_space<vmem>>, vector<1x16xf32>,
      %swap3A_50 = vector.shape_cast %swap3A_49 : vector<1x16xf32> to vector<16xf32>
      %swap3A_51 = vector.shape_cast %broadcast_in_dim3A_0 : vector<16xf32> to vector<1x16xf32>
      tpu.vector_store %arg8[%swap3A_47, %swap3A_48], %swap3A_51 {strides = array<i32>} : memref<128x128xf32, #tpu.memory_space<vmem>>, vector<1x16xf32>,
      %swap3A_52 = arith.index_cast %scan3A_36 : i32 to index
      %swap3A_53 = arith.constant 48 : index
      %swap3A_54 = tpu.vector_load %arg8[%swap3A_52, %swap3A_53] {strides = array<i32>} : memref<128x128xf32, #tpu.memory_space<vmem>>, vector<1x16xf32>,
      %swap3A_55 = vector.shape_cast %swap3A_54 : vector<1x16xf32> to vector<16xf32>
      %swap3A_56 = vector.shape_cast %broadcast_in_dim3A_0 : vector<16xf32> to vector<1x16xf32>
      tpu.vector_store %arg8[%swap3A_52, %swap3A_53], %swap3A_56 {strides = array<i32>} : memref<128x128xf32, #tpu.memory_space<vmem>>, vector<1x16xf32>,
      %swap3A_57 = arith.index_cast %scan3A_36 : i32 to index
      %swap3A_58 = arith.constant 64 : index
      %swap3A_59 = tpu.vector_load %arg8[%swap3A_57, %swap3A_58] {strides = array<i32>} : memref<128x128xf32, #tpu.memory_space<vmem>>, vector<1x16xf32>,
      %swap3A_60 = vector.shape_cast %swap3A_59 : vector<1x16xf32> to vector<16xf32>
      %swap3A_61 = vector.shape_cast %broadcast_in_dim3A_0 : vector<16xf32> to vector<1x16xf32>
      tpu.vector_store %arg8[%swap3A_57, %swap3A_58], %swap3A_61 {strides = array<i32>} : memref<128x128xf32, #tpu.memory_space<vmem>>, vector<1x16xf32>,
      %swap3A_62 = arith.index_cast %scan3A_36 : i32 to index
      %swap3A_63 = arith.constant 80 : index
      %swap3A_64 = tpu.vector_load %arg8[%swap3A_62, %swap3A_63] {strides = array<i32>} : memref<128x128xf32, #tpu.memory_space<vmem>>, vector<1x16xf32>,
      %swap3A_65 = vector.shape_cast %swap3A_64 : vector<1x16xf32> to vector<16xf32>
      %swap3A_66 = vector.shape_cast %broadcast_in_dim3A_0 : vector<16xf32> to vector<1x16xf32>
      tpu.vector_store %arg8[%swap3A_62, %swap3A_63], %swap3A_66 {strides = array<i32>} : memref<128x128xf32, #tpu.memory_space<vmem>>, vector<1x16xf32>,
      %swap3A_67 = arith.index_cast %scan3A_36 : i32 to index
      %swap3A_68 = arith.constant 96 : index
      %swap3A_69 = tpu.vector_load %arg8[%swap3A_67, %swap3A_68] {strides = array<i32>} : memref<128x128xf32, #tpu.memory_space<vmem>>, vector<1x16xf32>,
      %swap3A_70 = vector.shape_cast %swap3A_69 : vector<1x16xf32> to vector<16xf32>
      %swap3A_71 = vector.shape_cast %broadcast_in_dim3A_0 : vector<16xf32> to vector<1x16xf32>
      tpu.vector_store %arg8[%swap3A_67, %swap3A_68], %swap3A_71 {strides = array<i32>} : memref<128x128xf32, #tpu.memory_space<vmem>>, vector<1x16xf32>,
      %swap3A_72 = arith.index_cast %scan3A_36 : i32 to index
      %swap3A_73 = arith.constant 112 : index
      %swap3A_74 = tpu.vector_load %arg8[%swap3A_72, %swap3A_73] {strides = array<i32>} : memref<128x128xf32, #tpu.memory_space<vmem>>, vector<1x16xf32>,
      %swap3A_75 = vector.shape_cast %swap3A_74 : vector<1x16xf32> to vector<16xf32>
      %swap3A_76 = vector.shape_cast %broadcast_in_dim3A_0 : vector<16xf32> to vector<1x16xf32>
      tpu.vector_store %arg8[%swap3A_72, %swap3A_73], %swap3A_76 {strides = array<i32>} : memref<128x128xf32, #tpu.memory_space<vmem>>, vector<1x16xf32>,
      %scan3A_77 = arith.constant 0 : i32
      scf.yield %scan3A_77 : i32
    }
    %scan3A_6 = arith.constant 128 : i32
    %scan3A_7 = arith.constant 0 : i32
    %scan3A_8 = arith.constant 0 : i32
    %scan3A_9 = arith.constant 5 : i32
    %scan3A_10 = arith.addi %scan3A_8, %scan3A_9 : i32
    %scan3A_11 = arith.constant 1 : i32
    %scan3A_12 = scf.for %scan3A_36 = %scan3A_8 to %scan3A_10 step %scan3A_11 iter_args(%scan3A_37 = %scan3A_7) -> (i32)  : i32 {
      %mul3A_38 = arith.constant 16 : i32
      %mul3A_39 = arith.muli %scan3A_36, %mul3A_38 : i32
      %add3A_40 = arith.addi %mul3A_39, %arg1 : i32
      %lt3A = arith.constant 78 : i32
      %lt3A_41 = arith.cmpi slt, %add3A_40, %lt3A : i32
      %convert_element_type3A_42 = arith.extui %lt3A_41 : i1 to i32
      %cond3A_43 = arith.constant 0 : i32
      %cond3A_44 = arith.cmpi ne, %convert_element_type3A_42, %cond3A_43 : i32
      scf.if %cond3A_44 {
        %mul3A_46 = arith.constant 128 : i32
        %mul3A_47 = arith.muli %add3A_40, %mul3A_46 : i32
        "tpu.region"() ({
          %run_scoped3A = tpu.sem_alloc : memref<!tpu.dma_semaphore, #tpu.memory_space<semaphore_mem>>
          %dma_start3A = arith.constant 0 : i32
          %dma_start3A_48 = tpu.memref_slice %arg9[%mul3A_47, %dma_start3A] : memref<10000x128xf32, #tpu.memory_space<vmem_shared>> -> memref<128x128xf32, #tpu.memory_space<vmem_shared>>
          %dma_start3A_49 = arith.constant 0 : i32
          %dma_start3A_50 = tpu.memref_slice %arg9[%mul3A_47, %dma_start3A_49] : memref<10000x128xf32, #tpu.memory_space<vmem_shared>> -> memref<128x128xf32, #tpu.memory_space<vmem_shared>>
          tpu.enqueue_dma source(%arg8 : memref<128x128xf32, #tpu.memory_space<vmem>>) target(%dma_start3A_50 : memref<128x128xf32, #tpu.memory_space<vmem_shared>>) target_semaphore(%run_scoped3A : memref<!tpu.dma_semaphore, #tpu.memory_space<semaphore_mem>>)
          %dma_wait3A = arith.constant 0 : i32
          %dma_wait3A_51 = tpu.memref_slice %arg9[%mul3A_47, %dma_wait3A] : memref<10000x128xf32, #tpu.memory_space<vmem_shared>> -> memref<128x128xf32, #tpu.memory_space<vmem_shared>>
          %dma_wait3A_52 = arith.constant 0 : i32
          %dma_wait3A_53 = tpu.memref_slice %arg9[%mul3A_47, %dma_wait3A_52] : memref<10000x128xf32, #tpu.memory_space<vmem_shared>> -> memref<128x128xf32, #tpu.memory_space<vmem_shared>>
          tpu.wait_dma2 semaphore(%run_scoped3A : memref<!tpu.dma_semaphore, #tpu.memory_space<semaphore_mem>>) src(%arg8 : memref<128x128xf32, #tpu.memory_space<vmem>>) dst(%dma_wait3A_53 : memref<128x128xf32, #tpu.memory_space<vmem_shared>>)
          tpu.yield
        }) : () -> ()
      } else {
      }
      %scan3A_45 = arith.constant 0 : i32
      scf.yield %scan3A_45 : i32
    }
    %scan3A_13 = arith.constant 5 : i32
    %eq3A = arith.constant 15 : i32
    %eq3A_14 = arith.cmpi eq, %arg1, %eq3A : i32
    %convert_element_type3A = arith.extui %eq3A_14 : i1 to i32
    %cond3A = arith.constant 0 : i32
    %cond3A_15 = arith.cmpi ne, %convert_element_type3A, %cond3A : i32
    scf.if %cond3A_15 {
      "tpu.region"() ({
        %run_scoped3A = tpu.sem_alloc : memref<!tpu.dma_semaphore, #tpu.memory_space<semaphore_mem>>
        %dma_start3A = arith.constant 0 : i32
        %dma_start3A_36 = arith.constant 0 : i32
        %dma_start3A_37 = tpu.memref_slice %arg8[%dma_start3A, %dma_start3A_36] : memref<128x128xf32, #tpu.memory_space<vmem>> -> memref<16x128xf32, #tpu.memory_space<vmem>>
        %dma_start3A_38 = arith.constant 9984 : i32
        %dma_start3A_39 = arith.constant 0 : i32
        %dma_start3A_40 = tpu.memref_slice %arg9[%dma_start3A_38, %dma_start3A_39] : memref<10000x128xf32, #tpu.memory_space<vmem_shared>> -> memref<16x128xf32, #tpu.memory_space<vmem_shared>>
        %dma_start3A_41 = arith.constant 9984 : i32
        %dma_start3A_42 = arith.constant 0 : i32
        %dma_start3A_43 = tpu.memref_slice %arg9[%dma_start3A_41, %dma_start3A_42] : memref<10000x128xf32, #tpu.memory_space<vmem_shared>> -> memref<16x128xf32, #tpu.memory_space<vmem_shared>>
        %dma_start3A_44 = arith.constant 0 : i32
        %dma_start3A_45 = arith.constant 0 : i32
        %dma_start3A_46 = tpu.memref_slice %arg8[%dma_start3A_44, %dma_start3A_45] : memref<128x128xf32, #tpu.memory_space<vmem>> -> memref<16x128xf32, #tpu.memory_space<vmem>>
        tpu.enqueue_dma source(%dma_start3A_46 : memref<16x128xf32, #tpu.memory_space<vmem>>) target(%dma_start3A_43 : memref<16x128xf32, #tpu.memory_space<vmem_shared>>) target_semaphore(%run_scoped3A : memref<!tpu.dma_semaphore, #tpu.memory_space<semaphore_mem>>)
        %dma_wait3A = arith.constant 0 : i32
        %dma_wait3A_47 = arith.constant 0 : i32
        %dma_wait3A_48 = tpu.memref_slice %arg8[%dma_wait3A, %dma_wait3A_47] : memref<128x128xf32, #tpu.memory_space<vmem>> -> memref<16x128xf32, #tpu.memory_space<vmem>>
        %dma_wait3A_49 = arith.constant 9984 : i32
        %dma_wait3A_50 = arith.constant 0 : i32
        %dma_wait3A_51 = tpu.memref_slice %arg9[%dma_wait3A_49, %dma_wait3A_50] : memref<10000x128xf32, #tpu.memory_space<vmem_shared>> -> memref<16x128xf32, #tpu.memory_space<vmem_shared>>
        %dma_wait3A_52 = arith.constant 9984 : i32
        %dma_wait3A_53 = arith.constant 0 : i32
        %dma_wait3A_54 = tpu.memref_slice %arg9[%dma_wait3A_52, %dma_wait3A_53] : memref<10000x128xf32, #tpu.memory_space<vmem_shared>> -> memref<16x128xf32, #tpu.memory_space<vmem_shared>>
        %dma_wait3A_55 = arith.constant 0 : i32
        %dma_wait3A_56 = arith.constant 0 : i32
        %dma_wait3A_57 = tpu.memref_slice %arg8[%dma_wait3A_55, %dma_wait3A_56] : memref<128x128xf32, #tpu.memory_space<vmem>> -> memref<16x128xf32, #tpu.memory_space<vmem>>
        tpu.wait_dma2 semaphore(%run_scoped3A : memref<!tpu.dma_semaphore, #tpu.memory_space<semaphore_mem>>) src(%dma_wait3A_57 : memref<16x128xf32, #tpu.memory_space<vmem>>) dst(%dma_wait3A_54 : memref<16x128xf32, #tpu.memory_space<vmem_shared>>)
        tpu.yield
      }) : () -> ()
    } else {
    }
    %barrier3A = arith.constant 0 : index
    tpu.barrier barrier_id(%barrier3A)
    %mul3A = arith.constant 160000 : i32
    %mul3A_16 = arith.muli %arg0, %mul3A : i32
    %mul3A_17 = arith.constant 10000 : i32
    %mul3A_18 = arith.muli %arg1, %mul3A_17 : i32
    %add3A = arith.addi %mul3A_16, %mul3A_18 : i32
    %scan3A_19 = arith.constant 0 : i32
    %scan3A_20 = arith.constant 0 : i32
    %scan3A_21 = arith.constant 125 : i32
    %scan3A_22 = arith.addi %scan3A_20, %scan3A_21 : i32
    %scan3A_23 = arith.constant 1 : i32
    %scan3A_24 = scf.for %scan3A_36 = %scan3A_20 to %scan3A_22 step %scan3A_23 iter_args(%scan3A_37 = %scan3A_19) -> (i32)  : i32 {
      %mul3A_38 = arith.constant 80 : i32
      %mul3A_39 = arith.muli %scan3A_36, %mul3A_38 : i32
      %add3A_40 = arith.addi %add3A, %mul3A_39 : i32
      %run_scoped3A = arith.constant 0 : i32
      "tpu.region"() ({
        %run_scoped3A_45 = tpu.sem_alloc : memref<!tpu.dma_semaphore, #tpu.memory_space<semaphore_mem>>
        %dma_start3A = arith.constant 0 : i32
        %dma_start3A_46 = tpu.memref_slice %arg6[%run_scoped3A, %dma_start3A] : memref<2x80xi32, #tpu.memory_space<vmem>> -> memref<1x80xi32, #tpu.memory_space<vmem>>
        %dma_start3A_47 = tpu.memref_squeeze %dma_start3A_46 : memref<1x80xi32, #tpu.memory_space<vmem>> -> memref<80xi32, #tpu.memory_space<vmem>>
        %dma_start3A_48 = tpu.memref_slice %arg2[%add3A_40] : memref<320000xi32, #tpu.memory_space<hbm>> -> memref<80xi32, #tpu.memory_space<hbm>>
        %dma_start3A_49 = arith.constant 0 : i32
        %dma_start3A_50 = tpu.memref_slice %arg6[%run_scoped3A, %dma_start3A_49] : memref<2x80xi32, #tpu.memory_space<vmem>> -> memref<1x80xi32, #tpu.memory_space<vmem>>
        %dma_start3A_51 = tpu.memref_squeeze %dma_start3A_50 : memref<1x80xi32, #tpu.memory_space<vmem>> -> memref<80xi32, #tpu.memory_space<vmem>>
        %dma_start3A_52 = tpu.memref_slice %arg2[%add3A_40] : memref<320000xi32, #tpu.memory_space<hbm>> -> memref<80xi32, #tpu.memory_space<hbm>>
        tpu.enqueue_dma source(%dma_start3A_52 : memref<80xi32, #tpu.memory_space<hbm>>) target(%dma_start3A_51 : memref<80xi32, #tpu.memory_space<vmem>>) target_semaphore(%run_scoped3A_45 : memref<!tpu.dma_semaphore, #tpu.memory_space<semaphore_mem>>)
        %dma_wait3A = arith.constant 0 : i32
        %dma_wait3A_53 = tpu.memref_slice %arg6[%run_scoped3A, %dma_wait3A] : memref<2x80xi32, #tpu.memory_space<vmem>> -> memref<1x80xi32, #tpu.memory_space<vmem>>
        %dma_wait3A_54 = tpu.memref_squeeze %dma_wait3A_53 : memref<1x80xi32, #tpu.memory_space<vmem>> -> memref<80xi32, #tpu.memory_space<vmem>>
        %dma_wait3A_55 = tpu.memref_slice %arg2[%add3A_40] : memref<320000xi32, #tpu.memory_space<hbm>> -> memref<80xi32, #tpu.memory_space<hbm>>
        %dma_wait3A_56 = arith.constant 0 : i32
        %dma_wait3A_57 = tpu.memref_slice %arg6[%run_scoped3A, %dma_wait3A_56] : memref<2x80xi32, #tpu.memory_space<vmem>> -> memref<1x80xi32, #tpu.memory_space<vmem>>
        %dma_wait3A_58 = tpu.memref_squeeze %dma_wait3A_57 : memref<1x80xi32, #tpu.memory_space<vmem>> -> memref<80xi32, #tpu.memory_space<vmem>>
        %dma_wait3A_59 = tpu.memref_slice %arg2[%add3A_40] : memref<320000xi32, #tpu.memory_space<hbm>> -> memref<80xi32, #tpu.memory_space<hbm>>
        tpu.wait_dma2 semaphore(%run_scoped3A_45 : memref<!tpu.dma_semaphore, #tpu.memory_space<semaphore_mem>>) src(%dma_wait3A_59 : memref<80xi32, #tpu.memory_space<hbm>>) dst(%dma_wait3A_58 : memref<80xi32, #tpu.memory_space<vmem>>)
        tpu.yield
      }) : () -> ()
      %run_scoped3A_41 = arith.constant 1 : i32
      "tpu.region"() ({
        %run_scoped3A_45 = tpu.sem_alloc : memref<!tpu.dma_semaphore, #tpu.memory_space<semaphore_mem>>
        %dma_start3A = arith.constant 0 : i32
        %dma_start3A_46 = tpu.memref_slice %arg6[%run_scoped3A_41, %dma_start3A] : memref<2x80xi32, #tpu.memory_space<vmem>> -> memref<1x80xi32, #tpu.memory_space<vmem>>
        %dma_start3A_47 = tpu.memref_squeeze %dma_start3A_46 : memref<1x80xi32, #tpu.memory_space<vmem>> -> memref<80xi32, #tpu.memory_space<vmem>>
        %dma_start3A_48 = tpu.memref_slice %arg3[%add3A_40] : memref<320000xi32, #tpu.memory_space<hbm>> -> memref<80xi32, #tpu.memory_space<hbm>>
        %dma_start3A_49 = arith.constant 0 : i32
        %dma_start3A_50 = tpu.memref_slice %arg6[%run_scoped3A_41, %dma_start3A_49] : memref<2x80xi32, #tpu.memory_space<vmem>> -> memref<1x80xi32, #tpu.memory_space<vmem>>
        %dma_start3A_51 = tpu.memref_squeeze %dma_start3A_50 : memref<1x80xi32, #tpu.memory_space<vmem>> -> memref<80xi32, #tpu.memory_space<vmem>>
        %dma_start3A_52 = tpu.memref_slice %arg3[%add3A_40] : memref<320000xi32, #tpu.memory_space<hbm>> -> memref<80xi32, #tpu.memory_space<hbm>>
        tpu.enqueue_dma source(%dma_start3A_52 : memref<80xi32, #tpu.memory_space<hbm>>) target(%dma_start3A_51 : memref<80xi32, #tpu.memory_space<vmem>>) target_semaphore(%run_scoped3A_45 : memref<!tpu.dma_semaphore, #tpu.memory_space<semaphore_mem>>)
        %dma_wait3A = arith.constant 0 : i32
        %dma_wait3A_53 = tpu.memref_slice %arg6[%run_scoped3A_41, %dma_wait3A] : memref<2x80xi32, #tpu.memory_space<vmem>> -> memref<1x80xi32, #tpu.memory_space<vmem>>
        %dma_wait3A_54 = tpu.memref_squeeze %dma_wait3A_53 : memref<1x80xi32, #tpu.memory_space<vmem>> -> memref<80xi32, #tpu.memory_space<vmem>>
        %dma_wait3A_55 = tpu.memref_slice %arg3[%add3A_40] : memref<320000xi32, #tpu.memory_space<hbm>> -> memref<80xi32, #tpu.memory_space<hbm>>
        %dma_wait3A_56 = arith.constant 0 : i32
        %dma_wait3A_57 = tpu.memref_slice %arg6[%run_scoped3A_41, %dma_wait3A_56] : memref<2x80xi32, #tpu.memory_space<vmem>> -> memref<1x80xi32, #tpu.memory_space<vmem>>
        %dma_wait3A_58 = tpu.memref_squeeze %dma_wait3A_57 : memref<1x80xi32, #tpu.memory_space<vmem>> -> memref<80xi32, #tpu.memory_space<vmem>>
        %dma_wait3A_59 = tpu.memref_slice %arg3[%add3A_40] : memref<320000xi32, #tpu.memory_space<hbm>> -> memref<80xi32, #tpu.memory_space<hbm>>
        tpu.wait_dma2 semaphore(%run_scoped3A_45 : memref<!tpu.dma_semaphore, #tpu.memory_space<semaphore_mem>>) src(%dma_wait3A_59 : memref<80xi32, #tpu.memory_space<hbm>>) dst(%dma_wait3A_58 : memref<80xi32, #tpu.memory_space<vmem>>)
        tpu.yield
      }) : () -> ()
      %run_scoped3A_42 = arith.constant 0 : i32
      "tpu.region"() ({
        %run_scoped3A_45 = tpu.sem_alloc : memref<!tpu.dma_semaphore, #tpu.memory_space<semaphore_mem>>
        %dma_start3A = arith.constant 0 : i32
        %dma_start3A_46 = tpu.memref_slice %arg6[%run_scoped3A_42, %dma_start3A] : memref<2x80xi32, #tpu.memory_space<vmem>> -> memref<1x80xi32, #tpu.memory_space<vmem>>
        %dma_start3A_47 = tpu.memref_squeeze %dma_start3A_46 : memref<1x80xi32, #tpu.memory_space<vmem>> -> memref<80xi32, #tpu.memory_space<vmem>>
        %dma_start3A_48 = arith.constant 0 : i32
        %dma_start3A_49 = arith.constant 0 : i32
        %dma_start3A_50 = tpu.memref_slice %arg4[%dma_start3A_48, %dma_start3A_49] : memref<10000x128xf32, #tpu.memory_space<hbm>> -> memref<10000x128xf32, #tpu.memory_space<hbm>>
        tpu.enqueue_indirect_dma source(%dma_start3A_50 : memref<10000x128xf32, #tpu.memory_space<hbm>>) target(%arg7 : memref<80x128xf32, #tpu.memory_space<vmem>>) offsets(%dma_start3A_47 : memref<80xi32, #tpu.memory_space<vmem>>) semaphore(%run_scoped3A_45 : memref<!tpu.dma_semaphore, #tpu.memory_space<semaphore_mem>>)
        %dma_wait3A = arith.constant 0 : i32
        %dma_wait3A_51 = tpu.memref_slice %arg6[%run_scoped3A_42, %dma_wait3A] : memref<2x80xi32, #tpu.memory_space<vmem>> -> memref<1x80xi32, #tpu.memory_space<vmem>>
        %dma_wait3A_52 = tpu.memref_squeeze %dma_wait3A_51 : memref<1x80xi32, #tpu.memory_space<vmem>> -> memref<80xi32, #tpu.memory_space<vmem>>
        %dma_wait3A_53 = arith.constant 0 : i32
        %dma_wait3A_54 = arith.constant 0 : i32
        %dma_wait3A_55 = tpu.memref_slice %arg4[%dma_wait3A_53, %dma_wait3A_54] : memref<10000x128xf32, #tpu.memory_space<hbm>> -> memref<10000x128xf32, #tpu.memory_space<hbm>>
        tpu.wait_indirect_dma semaphore(%run_scoped3A_45 : memref<!tpu.dma_semaphore, #tpu.memory_space<semaphore_mem>>) src(%dma_wait3A_55 : memref<10000x128xf32, #tpu.memory_space<hbm>>) dst(%arg7 : memref<80x128xf32, #tpu.memory_space<vmem>>)
        tpu.yield
      }) : () -> ()
      %run_scoped3A_43 = arith.constant 1 : i32
      "tpu.region"() ({
        %run_scoped3A_45 = tpu.sem_alloc : memref<!tpu.dma_semaphore, #tpu.memory_space<semaphore_mem>>
        %dma_start3A = arith.constant 0 : i32
        %dma_start3A_46 = tpu.memref_slice %arg6[%run_scoped3A_43, %dma_start3A] : memref<2x80xi32, #tpu.memory_space<vmem>> -> memref<1x80xi32, #tpu.memory_space<vmem>>
        %dma_start3A_47 = tpu.memref_squeeze %dma_start3A_46 : memref<1x80xi32, #tpu.memory_space<vmem>> -> memref<80xi32, #tpu.memory_space<vmem>>
        %dma_start3A_48 = arith.constant 0 : i32
        %dma_start3A_49 = arith.constant 0 : i32
        %dma_start3A_50 = tpu.memref_slice %arg9[%dma_start3A_48, %dma_start3A_49] : memref<10000x128xf32, #tpu.memory_space<vmem_shared>> -> memref<10000x128xf32, #tpu.memory_space<vmem_shared>>
        tpu.enqueue_indirect_dma source(%arg7 : memref<80x128xf32, #tpu.memory_space<vmem>>) target(%dma_start3A_50 : memref<10000x128xf32, #tpu.memory_space<vmem_shared>>) offsets(%dma_start3A_47 : memref<80xi32, #tpu.memory_space<vmem>>) semaphore(%run_scoped3A_45 : memref<!tpu.dma_semaphore, #tpu.memory_space<semaphore_mem>>) {add = true}
        %dma_wait3A = arith.constant 0 : i32
        %dma_wait3A_51 = tpu.memref_slice %arg6[%run_scoped3A_43, %dma_wait3A] : memref<2x80xi32, #tpu.memory_space<vmem>> -> memref<1x80xi32, #tpu.memory_space<vmem>>
        %dma_wait3A_52 = tpu.memref_squeeze %dma_wait3A_51 : memref<1x80xi32, #tpu.memory_space<vmem>> -> memref<80xi32, #tpu.memory_space<vmem>>
        %dma_wait3A_53 = arith.constant 0 : i32
        %dma_wait3A_54 = arith.constant 0 : i32
        %dma_wait3A_55 = tpu.memref_slice %arg9[%dma_wait3A_53, %dma_wait3A_54] : memref<10000x128xf32, #tpu.memory_space<vmem_shared>> -> memref<10000x128xf32, #tpu.memory_space<vmem_shared>>
        tpu.wait_indirect_dma semaphore(%run_scoped3A_45 : memref<!tpu.dma_semaphore, #tpu.memory_space<semaphore_mem>>) src(%arg7 : memref<80x128xf32, #tpu.memory_space<vmem>>) dst(%dma_wait3A_55 : memref<10000x128xf32, #tpu.memory_space<vmem_shared>>)
        tpu.yield
      }) : () -> ()
      %scan3A_44 = arith.constant 0 : i32
      scf.yield %scan3A_44 : i32
    }
    %scan3A_25 = arith.constant 125 : i32
    %barrier3A_26 = arith.constant 0 : index
    tpu.barrier barrier_id(%barrier3A_26)
    %mul3A_27 = arith.constant 624 : i32
    %mul3A_28 = arith.muli %arg1, %mul3A_27 : i32
    %mul3A_29 = arith.constant 624 : i32
    %mul3A_30 = arith.muli %arg1, %mul3A_29 : i32
    "tpu.region"() ({
      %run_scoped3A = tpu.sem_alloc : memref<!tpu.dma_semaphore, #tpu.memory_space<semaphore_mem>>
      %dma_start3A = arith.constant 0 : i32
      %dma_start3A_36 = tpu.memref_slice %arg5[%arg0, %mul3A_30, %dma_start3A] : memref<2x10000x128xf32, #tpu.memory_space<hbm>> -> memref<1x624x128xf32, #tpu.memory_space<hbm>>
      %dma_start3A_37 = tpu.memref_squeeze %dma_start3A_36 : memref<1x624x128xf32, #tpu.memory_space<hbm>> -> memref<624x128xf32, #tpu.memory_space<hbm>>
      %dma_start3A_38 = arith.constant 0 : i32
      %dma_start3A_39 = tpu.memref_slice %arg9[%mul3A_28, %dma_start3A_38] : memref<10000x128xf32, #tpu.memory_space<vmem_shared>> -> memref<624x128xf32, #tpu.memory_space<vmem_shared>>
      tpu.enqueue_dma source(%dma_start3A_39 : memref<624x128xf32, #tpu.memory_space<vmem_shared>>) target(%dma_start3A_37 : memref<624x128xf32, #tpu.memory_space<hbm>>) target_semaphore(%run_scoped3A : memref<!tpu.dma_semaphore, #tpu.memory_space<semaphore_mem>>)
      %dma_wait3A = arith.constant 0 : i32
      %dma_wait3A_40 = tpu.memref_slice %arg5[%arg0, %mul3A_30, %dma_wait3A] : memref<2x10000x128xf32, #tpu.memory_space<hbm>> -> memref<1x624x128xf32, #tpu.memory_space<hbm>>
      %dma_wait3A_41 = tpu.memref_squeeze %dma_wait3A_40 : memref<1x624x128xf32, #tpu.memory_space<hbm>> -> memref<624x128xf32, #tpu.memory_space<hbm>>
      %dma_wait3A_42 = arith.constant 0 : i32
      %dma_wait3A_43 = tpu.memref_slice %arg9[%mul3A_28, %dma_wait3A_42] : memref<10000x128xf32, #tpu.memory_space<vmem_shared>> -> memref<624x128xf32, #tpu.memory_space<vmem_shared>>
      tpu.wait_dma2 semaphore(%run_scoped3A : memref<!tpu.dma_semaphore, #tpu.memory_space<semaphore_mem>>) src(%dma_wait3A_43 : memref<624x128xf32, #tpu.memory_space<vmem_shared>>) dst(%dma_wait3A_41 : memref<624x128xf32, #tpu.memory_space<hbm>>)
      tpu.yield
    }) : () -> ()
    %eq3A_31 = arith.constant 15 : i32
    %eq3A_32 = arith.cmpi eq, %arg1, %eq3A_31 : i32
    %convert_element_type3A_33 = arith.extui %eq3A_32 : i1 to i32
    %cond3A_34 = arith.constant 0 : i32
    %cond3A_35 = arith.cmpi ne, %convert_element_type3A_33, %cond3A_34 : i32
    scf.if %cond3A_35 {
      "tpu.region"() ({
        %run_scoped3A = tpu.sem_alloc : memref<!tpu.dma_semaphore, #tpu.memory_space<semaphore_mem>>
        %dma_start3A = arith.constant 9984 : i32
        %dma_start3A_36 = arith.constant 0 : i32
        %dma_start3A_37 = tpu.memref_slice %arg5[%arg0, %dma_start3A, %dma_start3A_36] : memref<2x10000x128xf32, #tpu.memory_space<hbm>> -> memref<1x16x128xf32, #tpu.memory_space<hbm>>
        %dma_start3A_38 = tpu.memref_squeeze %dma_start3A_37 : memref<1x16x128xf32, #tpu.memory_space<hbm>> -> memref<16x128xf32, #tpu.memory_space<hbm>>
        %dma_start3A_39 = arith.constant 9984 : i32
        %dma_start3A_40 = arith.constant 0 : i32
        %dma_start3A_41 = tpu.memref_slice %arg9[%dma_start3A_39, %dma_start3A_40] : memref<10000x128xf32, #tpu.memory_space<vmem_shared>> -> memref<16x128xf32, #tpu.memory_space<vmem_shared>>
        tpu.enqueue_dma source(%dma_start3A_41 : memref<16x128xf32, #tpu.memory_space<vmem_shared>>) target(%dma_start3A_38 : memref<16x128xf32, #tpu.memory_space<hbm>>) target_semaphore(%run_scoped3A : memref<!tpu.dma_semaphore, #tpu.memory_space<semaphore_mem>>)
        %dma_wait3A = arith.constant 9984 : i32
        %dma_wait3A_42 = arith.constant 0 : i32
        %dma_wait3A_43 = tpu.memref_slice %arg5[%arg0, %dma_wait3A, %dma_wait3A_42] : memref<2x10000x128xf32, #tpu.memory_space<hbm>> -> memref<1x16x128xf32, #tpu.memory_space<hbm>>
        %dma_wait3A_44 = tpu.memref_squeeze %dma_wait3A_43 : memref<1x16x128xf32, #tpu.memory_space<hbm>> -> memref<16x128xf32, #tpu.memory_space<hbm>>
        %dma_wait3A_45 = arith.constant 9984 : i32
        %dma_wait3A_46 = arith.constant 0 : i32
        %dma_wait3A_47 = tpu.memref_slice %arg9[%dma_wait3A_45, %dma_wait3A_46] : memref<10000x128xf32, #tpu.memory_space<vmem_shared>> -> memref<16x128xf32, #tpu.memory_space<vmem_shared>>
        tpu.wait_dma2 semaphore(%run_scoped3A : memref<!tpu.dma_semaphore, #tpu.memory_space<semaphore_mem>>) src(%dma_wait3A_47 : memref<16x128xf32, #tpu.memory_space<vmem_shared>>) dst(%dma_wait3A_44 : memref<16x128xf32, #tpu.memory_space<hbm>>)
        tpu.yield
      }) : () -> ()
    } else {
    }
    return
  }
}

#map = affine_map<(d0, d1) -> (0)>
#map1 = affine_map<(d0, d1) -> (0, 0, 0)>
module attributes {stable_mosaic.version = 14 : i64} {
  func.func @_sc_deg_body(%arg0: i32, %arg1: i32, %arg2: memref<320000xi32, #tpu.memory_space<hbm>>, %arg3: memref<2x10000x128xf32, #tpu.memory_space<hbm>>, %arg4: memref<2x80xi32, #tpu.memory_space<vmem>>, %arg5: memref<80x128xf32, #tpu.memory_space<vmem>>, %arg6: memref<128x128xf32, #tpu.memory_space<vmem>>, %arg7: memref<10000x128xf32, #tpu.memory_space<vmem_shared>>) attributes {dimension_semantics = [#tpu.dimension_semantics<core_parallel>, #tpu.dimension_semantics<subcore_parallel>], iteration_bounds = array<i64: 2, 16>, scalar_prefetch = 0 : i64, scratch_operands = 4 : i64, tpu.core_type = #tpu.core_type<sc_vector_subcore>, window_params = [{transform_indices = #map}, {transform_indices = #map1}]} {
    %mul3A = arith.constant 16 : i32
    %mul3A_0 = arith.muli %arg0, %mul3A : i32
    %add3A = arith.addi %mul3A_0, %arg1 : i32
    %broadcast_in_dim3A = arith.constant 0.000000e+00 : f32
    %broadcast_in_dim3A_1 = vector.broadcast %broadcast_in_dim3A : f32 to vector<16xf32>
    %broadcast_in_dim3A_2 = arith.constant 1.000000e+00 : f32
    %broadcast_in_dim3A_3 = vector.broadcast %broadcast_in_dim3A_2 : f32 to vector<16xf32>
    %scan3A = arith.constant 0 : i32
    %scan3A_4 = arith.constant 0 : i32
    %scan3A_5 = arith.constant 80 : i32
    %scan3A_6 = arith.addi %scan3A_4, %scan3A_5 : i32
    %scan3A_7 = arith.constant 1 : i32
    %scan3A_8 = scf.for %scan3A_43 = %scan3A_4 to %scan3A_6 step %scan3A_7 iter_args(%scan3A_44 = %scan3A) -> (i32)  : i32 {
      %swap3A = arith.index_cast %scan3A_43 : i32 to index
      %swap3A_45 = arith.constant 0 : index
      %swap3A_46 = tpu.vector_load %arg5[%swap3A, %swap3A_45] {strides = array<i32>} : memref<80x128xf32, #tpu.memory_space<vmem>>, vector<1x16xf32>,
      %swap3A_47 = vector.shape_cast %swap3A_46 : vector<1x16xf32> to vector<16xf32>
      %swap3A_48 = vector.shape_cast %broadcast_in_dim3A_3 : vector<16xf32> to vector<1x16xf32>
      tpu.vector_store %arg5[%swap3A, %swap3A_45], %swap3A_48 {strides = array<i32>} : memref<80x128xf32, #tpu.memory_space<vmem>>, vector<1x16xf32>,
      %swap3A_49 = arith.index_cast %scan3A_43 : i32 to index
      %swap3A_50 = arith.constant 16 : index
      %swap3A_51 = tpu.vector_load %arg5[%swap3A_49, %swap3A_50] {strides = array<i32>} : memref<80x128xf32, #tpu.memory_space<vmem>>, vector<1x16xf32>,
      %swap3A_52 = vector.shape_cast %swap3A_51 : vector<1x16xf32> to vector<16xf32>
      %swap3A_53 = vector.shape_cast %broadcast_in_dim3A_3 : vector<16xf32> to vector<1x16xf32>
      tpu.vector_store %arg5[%swap3A_49, %swap3A_50], %swap3A_53 {strides = array<i32>} : memref<80x128xf32, #tpu.memory_space<vmem>>, vector<1x16xf32>,
      %swap3A_54 = arith.index_cast %scan3A_43 : i32 to index
      %swap3A_55 = arith.constant 32 : index
      %swap3A_56 = tpu.vector_load %arg5[%swap3A_54, %swap3A_55] {strides = array<i32>} : memref<80x128xf32, #tpu.memory_space<vmem>>, vector<1x16xf32>,
      %swap3A_57 = vector.shape_cast %swap3A_56 : vector<1x16xf32> to vector<16xf32>
      %swap3A_58 = vector.shape_cast %broadcast_in_dim3A_3 : vector<16xf32> to vector<1x16xf32>
      tpu.vector_store %arg5[%swap3A_54, %swap3A_55], %swap3A_58 {strides = array<i32>} : memref<80x128xf32, #tpu.memory_space<vmem>>, vector<1x16xf32>,
      %swap3A_59 = arith.index_cast %scan3A_43 : i32 to index
      %swap3A_60 = arith.constant 48 : index
      %swap3A_61 = tpu.vector_load %arg5[%swap3A_59, %swap3A_60] {strides = array<i32>} : memref<80x128xf32, #tpu.memory_space<vmem>>, vector<1x16xf32>,
      %swap3A_62 = vector.shape_cast %swap3A_61 : vector<1x16xf32> to vector<16xf32>
      %swap3A_63 = vector.shape_cast %broadcast_in_dim3A_3 : vector<16xf32> to vector<1x16xf32>
      tpu.vector_store %arg5[%swap3A_59, %swap3A_60], %swap3A_63 {strides = array<i32>} : memref<80x128xf32, #tpu.memory_space<vmem>>, vector<1x16xf32>,
      %swap3A_64 = arith.index_cast %scan3A_43 : i32 to index
      %swap3A_65 = arith.constant 64 : index
      %swap3A_66 = tpu.vector_load %arg5[%swap3A_64, %swap3A_65] {strides = array<i32>} : memref<80x128xf32, #tpu.memory_space<vmem>>, vector<1x16xf32>,
      %swap3A_67 = vector.shape_cast %swap3A_66 : vector<1x16xf32> to vector<16xf32>
      %swap3A_68 = vector.shape_cast %broadcast_in_dim3A_3 : vector<16xf32> to vector<1x16xf32>
      tpu.vector_store %arg5[%swap3A_64, %swap3A_65], %swap3A_68 {strides = array<i32>} : memref<80x128xf32, #tpu.memory_space<vmem>>, vector<1x16xf32>,
      %swap3A_69 = arith.index_cast %scan3A_43 : i32 to index
      %swap3A_70 = arith.constant 80 : index
      %swap3A_71 = tpu.vector_load %arg5[%swap3A_69, %swap3A_70] {strides = array<i32>} : memref<80x128xf32, #tpu.memory_space<vmem>>, vector<1x16xf32>,
      %swap3A_72 = vector.shape_cast %swap3A_71 : vector<1x16xf32> to vector<16xf32>
      %swap3A_73 = vector.shape_cast %broadcast_in_dim3A_3 : vector<16xf32> to vector<1x16xf32>
      tpu.vector_store %arg5[%swap3A_69, %swap3A_70], %swap3A_73 {strides = array<i32>} : memref<80x128xf32, #tpu.memory_space<vmem>>, vector<1x16xf32>,
      %swap3A_74 = arith.index_cast %scan3A_43 : i32 to index
      %swap3A_75 = arith.constant 96 : index
      %swap3A_76 = tpu.vector_load %arg5[%swap3A_74, %swap3A_75] {strides = array<i32>} : memref<80x128xf32, #tpu.memory_space<vmem>>, vector<1x16xf32>,
      %swap3A_77 = vector.shape_cast %swap3A_76 : vector<1x16xf32> to vector<16xf32>
      %swap3A_78 = vector.shape_cast %broadcast_in_dim3A_3 : vector<16xf32> to vector<1x16xf32>
      tpu.vector_store %arg5[%swap3A_74, %swap3A_75], %swap3A_78 {strides = array<i32>} : memref<80x128xf32, #tpu.memory_space<vmem>>, vector<1x16xf32>,
      %swap3A_79 = arith.index_cast %scan3A_43 : i32 to index
      %swap3A_80 = arith.constant 112 : index
      %swap3A_81 = tpu.vector_load %arg5[%swap3A_79, %swap3A_80] {strides = array<i32>} : memref<80x128xf32, #tpu.memory_space<vmem>>, vector<1x16xf32>,
      %swap3A_82 = vector.shape_cast %swap3A_81 : vector<1x16xf32> to vector<16xf32>
      %swap3A_83 = vector.shape_cast %broadcast_in_dim3A_3 : vector<16xf32> to vector<1x16xf32>
      tpu.vector_store %arg5[%swap3A_79, %swap3A_80], %swap3A_83 {strides = array<i32>} : memref<80x128xf32, #tpu.memory_space<vmem>>, vector<1x16xf32>,
      %scan3A_84 = arith.constant 0 : i32
      scf.yield %scan3A_84 : i32
    }
    %scan3A_9 = arith.constant 80 : i32
    %scan3A_10 = arith.constant 0 : i32
    %scan3A_11 = arith.constant 0 : i32
    %scan3A_12 = arith.constant 128 : i32
    %scan3A_13 = arith.addi %scan3A_11, %scan3A_12 : i32
    %scan3A_14 = arith.constant 1 : i32
    %scan3A_15 = scf.for %scan3A_43 = %scan3A_11 to %scan3A_13 step %scan3A_14 iter_args(%scan3A_44 = %scan3A_10) -> (i32)  : i32 {
      %swap3A = arith.index_cast %scan3A_43 : i32 to index
      %swap3A_45 = arith.constant 0 : index
      %swap3A_46 = tpu.vector_load %arg6[%swap3A, %swap3A_45] {strides = array<i32>} : memref<128x128xf32, #tpu.memory_space<vmem>>, vector<1x16xf32>,
      %swap3A_47 = vector.shape_cast %swap3A_46 : vector<1x16xf32> to vector<16xf32>
      %swap3A_48 = vector.shape_cast %broadcast_in_dim3A_1 : vector<16xf32> to vector<1x16xf32>
      tpu.vector_store %arg6[%swap3A, %swap3A_45], %swap3A_48 {strides = array<i32>} : memref<128x128xf32, #tpu.memory_space<vmem>>, vector<1x16xf32>,
      %swap3A_49 = arith.index_cast %scan3A_43 : i32 to index
      %swap3A_50 = arith.constant 16 : index
      %swap3A_51 = tpu.vector_load %arg6[%swap3A_49, %swap3A_50] {strides = array<i32>} : memref<128x128xf32, #tpu.memory_space<vmem>>, vector<1x16xf32>,
      %swap3A_52 = vector.shape_cast %swap3A_51 : vector<1x16xf32> to vector<16xf32>
      %swap3A_53 = vector.shape_cast %broadcast_in_dim3A_1 : vector<16xf32> to vector<1x16xf32>
      tpu.vector_store %arg6[%swap3A_49, %swap3A_50], %swap3A_53 {strides = array<i32>} : memref<128x128xf32, #tpu.memory_space<vmem>>, vector<1x16xf32>,
      %swap3A_54 = arith.index_cast %scan3A_43 : i32 to index
      %swap3A_55 = arith.constant 32 : index
      %swap3A_56 = tpu.vector_load %arg6[%swap3A_54, %swap3A_55] {strides = array<i32>} : memref<128x128xf32, #tpu.memory_space<vmem>>, vector<1x16xf32>,
      %swap3A_57 = vector.shape_cast %swap3A_56 : vector<1x16xf32> to vector<16xf32>
      %swap3A_58 = vector.shape_cast %broadcast_in_dim3A_1 : vector<16xf32> to vector<1x16xf32>
      tpu.vector_store %arg6[%swap3A_54, %swap3A_55], %swap3A_58 {strides = array<i32>} : memref<128x128xf32, #tpu.memory_space<vmem>>, vector<1x16xf32>,
      %swap3A_59 = arith.index_cast %scan3A_43 : i32 to index
      %swap3A_60 = arith.constant 48 : index
      %swap3A_61 = tpu.vector_load %arg6[%swap3A_59, %swap3A_60] {strides = array<i32>} : memref<128x128xf32, #tpu.memory_space<vmem>>, vector<1x16xf32>,
      %swap3A_62 = vector.shape_cast %swap3A_61 : vector<1x16xf32> to vector<16xf32>
      %swap3A_63 = vector.shape_cast %broadcast_in_dim3A_1 : vector<16xf32> to vector<1x16xf32>
      tpu.vector_store %arg6[%swap3A_59, %swap3A_60], %swap3A_63 {strides = array<i32>} : memref<128x128xf32, #tpu.memory_space<vmem>>, vector<1x16xf32>,
      %swap3A_64 = arith.index_cast %scan3A_43 : i32 to index
      %swap3A_65 = arith.constant 64 : index
      %swap3A_66 = tpu.vector_load %arg6[%swap3A_64, %swap3A_65] {strides = array<i32>} : memref<128x128xf32, #tpu.memory_space<vmem>>, vector<1x16xf32>,
      %swap3A_67 = vector.shape_cast %swap3A_66 : vector<1x16xf32> to vector<16xf32>
      %swap3A_68 = vector.shape_cast %broadcast_in_dim3A_1 : vector<16xf32> to vector<1x16xf32>
      tpu.vector_store %arg6[%swap3A_64, %swap3A_65], %swap3A_68 {strides = array<i32>} : memref<128x128xf32, #tpu.memory_space<vmem>>, vector<1x16xf32>,
      %swap3A_69 = arith.index_cast %scan3A_43 : i32 to index
      %swap3A_70 = arith.constant 80 : index
      %swap3A_71 = tpu.vector_load %arg6[%swap3A_69, %swap3A_70] {strides = array<i32>} : memref<128x128xf32, #tpu.memory_space<vmem>>, vector<1x16xf32>,
      %swap3A_72 = vector.shape_cast %swap3A_71 : vector<1x16xf32> to vector<16xf32>
      %swap3A_73 = vector.shape_cast %broadcast_in_dim3A_1 : vector<16xf32> to vector<1x16xf32>
      tpu.vector_store %arg6[%swap3A_69, %swap3A_70], %swap3A_73 {strides = array<i32>} : memref<128x128xf32, #tpu.memory_space<vmem>>, vector<1x16xf32>,
      %swap3A_74 = arith.index_cast %scan3A_43 : i32 to index
      %swap3A_75 = arith.constant 96 : index
      %swap3A_76 = tpu.vector_load %arg6[%swap3A_74, %swap3A_75] {strides = array<i32>} : memref<128x128xf32, #tpu.memory_space<vmem>>, vector<1x16xf32>,
      %swap3A_77 = vector.shape_cast %swap3A_76 : vector<1x16xf32> to vector<16xf32>
      %swap3A_78 = vector.shape_cast %broadcast_in_dim3A_1 : vector<16xf32> to vector<1x16xf32>
      tpu.vector_store %arg6[%swap3A_74, %swap3A_75], %swap3A_78 {strides = array<i32>} : memref<128x128xf32, #tpu.memory_space<vmem>>, vector<1x16xf32>,
      %swap3A_79 = arith.index_cast %scan3A_43 : i32 to index
      %swap3A_80 = arith.constant 112 : index
      %swap3A_81 = tpu.vector_load %arg6[%swap3A_79, %swap3A_80] {strides = array<i32>} : memref<128x128xf32, #tpu.memory_space<vmem>>, vector<1x16xf32>,
      %swap3A_82 = vector.shape_cast %swap3A_81 : vector<1x16xf32> to vector<16xf32>
      %swap3A_83 = vector.shape_cast %broadcast_in_dim3A_1 : vector<16xf32> to vector<1x16xf32>
      tpu.vector_store %arg6[%swap3A_79, %swap3A_80], %swap3A_83 {strides = array<i32>} : memref<128x128xf32, #tpu.memory_space<vmem>>, vector<1x16xf32>,
      %scan3A_84 = arith.constant 0 : i32
      scf.yield %scan3A_84 : i32
    }
    %scan3A_16 = arith.constant 128 : i32
    %scan3A_17 = arith.constant 0 : i32
    %scan3A_18 = arith.constant 0 : i32
    %scan3A_19 = arith.constant 5 : i32
    %scan3A_20 = arith.addi %scan3A_18, %scan3A_19 : i32
    %scan3A_21 = arith.constant 1 : i32
    %scan3A_22 = scf.for %scan3A_43 = %scan3A_18 to %scan3A_20 step %scan3A_21 iter_args(%scan3A_44 = %scan3A_17) -> (i32)  : i32 {
      %mul3A_45 = arith.constant 16 : i32
      %mul3A_46 = arith.muli %scan3A_43, %mul3A_45 : i32
      %add3A_47 = arith.addi %mul3A_46, %arg1 : i32
      %lt3A = arith.constant 78 : i32
      %lt3A_48 = arith.cmpi slt, %add3A_47, %lt3A : i32
      %convert_element_type3A_49 = arith.extui %lt3A_48 : i1 to i32
      %cond3A_50 = arith.constant 0 : i32
      %cond3A_51 = arith.cmpi ne, %convert_element_type3A_49, %cond3A_50 : i32
      scf.if %cond3A_51 {
        %mul3A_53 = arith.constant 128 : i32
        %mul3A_54 = arith.muli %add3A_47, %mul3A_53 : i32
        "tpu.region"() ({
          %run_scoped3A = tpu.sem_alloc : memref<!tpu.dma_semaphore, #tpu.memory_space<semaphore_mem>>
          %dma_start3A = arith.constant 0 : i32
          %dma_start3A_55 = tpu.memref_slice %arg7[%mul3A_54, %dma_start3A] : memref<10000x128xf32, #tpu.memory_space<vmem_shared>> -> memref<128x128xf32, #tpu.memory_space<vmem_shared>>
          %dma_start3A_56 = arith.constant 0 : i32
          %dma_start3A_57 = tpu.memref_slice %arg7[%mul3A_54, %dma_start3A_56] : memref<10000x128xf32, #tpu.memory_space<vmem_shared>> -> memref<128x128xf32, #tpu.memory_space<vmem_shared>>
          tpu.enqueue_dma source(%arg6 : memref<128x128xf32, #tpu.memory_space<vmem>>) target(%dma_start3A_57 : memref<128x128xf32, #tpu.memory_space<vmem_shared>>) target_semaphore(%run_scoped3A : memref<!tpu.dma_semaphore, #tpu.memory_space<semaphore_mem>>)
          %dma_wait3A = arith.constant 0 : i32
          %dma_wait3A_58 = tpu.memref_slice %arg7[%mul3A_54, %dma_wait3A] : memref<10000x128xf32, #tpu.memory_space<vmem_shared>> -> memref<128x128xf32, #tpu.memory_space<vmem_shared>>
          %dma_wait3A_59 = arith.constant 0 : i32
          %dma_wait3A_60 = tpu.memref_slice %arg7[%mul3A_54, %dma_wait3A_59] : memref<10000x128xf32, #tpu.memory_space<vmem_shared>> -> memref<128x128xf32, #tpu.memory_space<vmem_shared>>
          tpu.wait_dma2 semaphore(%run_scoped3A : memref<!tpu.dma_semaphore, #tpu.memory_space<semaphore_mem>>) src(%arg6 : memref<128x128xf32, #tpu.memory_space<vmem>>) dst(%dma_wait3A_60 : memref<128x128xf32, #tpu.memory_space<vmem_shared>>)
          tpu.yield
        }) : () -> ()
      } else {
      }
      %scan3A_52 = arith.constant 0 : i32
      scf.yield %scan3A_52 : i32
    }
    %scan3A_23 = arith.constant 5 : i32
    %eq3A = arith.constant 15 : i32
    %eq3A_24 = arith.cmpi eq, %arg1, %eq3A : i32
    %convert_element_type3A = arith.extui %eq3A_24 : i1 to i32
    %cond3A = arith.constant 0 : i32
    %cond3A_25 = arith.cmpi ne, %convert_element_type3A, %cond3A : i32
    scf.if %cond3A_25 {
      "tpu.region"() ({
        %run_scoped3A = tpu.sem_alloc : memref<!tpu.dma_semaphore, #tpu.memory_space<semaphore_mem>>
        %dma_start3A = arith.constant 0 : i32
        %dma_start3A_43 = arith.constant 0 : i32
        %dma_start3A_44 = tpu.memref_slice %arg6[%dma_start3A, %dma_start3A_43] : memref<128x128xf32, #tpu.memory_space<vmem>> -> memref<16x128xf32, #tpu.memory_space<vmem>>
        %dma_start3A_45 = arith.constant 9984 : i32
        %dma_start3A_46 = arith.constant 0 : i32
        %dma_start3A_47 = tpu.memref_slice %arg7[%dma_start3A_45, %dma_start3A_46] : memref<10000x128xf32, #tpu.memory_space<vmem_shared>> -> memref<16x128xf32, #tpu.memory_space<vmem_shared>>
        %dma_start3A_48 = arith.constant 9984 : i32
        %dma_start3A_49 = arith.constant 0 : i32
        %dma_start3A_50 = tpu.memref_slice %arg7[%dma_start3A_48, %dma_start3A_49] : memref<10000x128xf32, #tpu.memory_space<vmem_shared>> -> memref<16x128xf32, #tpu.memory_space<vmem_shared>>
        %dma_start3A_51 = arith.constant 0 : i32
        %dma_start3A_52 = arith.constant 0 : i32
        %dma_start3A_53 = tpu.memref_slice %arg6[%dma_start3A_51, %dma_start3A_52] : memref<128x128xf32, #tpu.memory_space<vmem>> -> memref<16x128xf32, #tpu.memory_space<vmem>>
        tpu.enqueue_dma source(%dma_start3A_53 : memref<16x128xf32, #tpu.memory_space<vmem>>) target(%dma_start3A_50 : memref<16x128xf32, #tpu.memory_space<vmem_shared>>) target_semaphore(%run_scoped3A : memref<!tpu.dma_semaphore, #tpu.memory_space<semaphore_mem>>)
        %dma_wait3A = arith.constant 0 : i32
        %dma_wait3A_54 = arith.constant 0 : i32
        %dma_wait3A_55 = tpu.memref_slice %arg6[%dma_wait3A, %dma_wait3A_54] : memref<128x128xf32, #tpu.memory_space<vmem>> -> memref<16x128xf32, #tpu.memory_space<vmem>>
        %dma_wait3A_56 = arith.constant 9984 : i32
        %dma_wait3A_57 = arith.constant 0 : i32
        %dma_wait3A_58 = tpu.memref_slice %arg7[%dma_wait3A_56, %dma_wait3A_57] : memref<10000x128xf32, #tpu.memory_space<vmem_shared>> -> memref<16x128xf32, #tpu.memory_space<vmem_shared>>
        %dma_wait3A_59 = arith.constant 9984 : i32
        %dma_wait3A_60 = arith.constant 0 : i32
        %dma_wait3A_61 = tpu.memref_slice %arg7[%dma_wait3A_59, %dma_wait3A_60] : memref<10000x128xf32, #tpu.memory_space<vmem_shared>> -> memref<16x128xf32, #tpu.memory_space<vmem_shared>>
        %dma_wait3A_62 = arith.constant 0 : i32
        %dma_wait3A_63 = arith.constant 0 : i32
        %dma_wait3A_64 = tpu.memref_slice %arg6[%dma_wait3A_62, %dma_wait3A_63] : memref<128x128xf32, #tpu.memory_space<vmem>> -> memref<16x128xf32, #tpu.memory_space<vmem>>
        tpu.wait_dma2 semaphore(%run_scoped3A : memref<!tpu.dma_semaphore, #tpu.memory_space<semaphore_mem>>) src(%dma_wait3A_64 : memref<16x128xf32, #tpu.memory_space<vmem>>) dst(%dma_wait3A_61 : memref<16x128xf32, #tpu.memory_space<vmem_shared>>)
        tpu.yield
      }) : () -> ()
    } else {
    }
    %barrier3A = arith.constant 0 : index
    tpu.barrier barrier_id(%barrier3A)
    %scan3A_26 = arith.constant 0 : i32
    %scan3A_27 = arith.constant 0 : i32
    %scan3A_28 = arith.constant 125 : i32
    %scan3A_29 = arith.addi %scan3A_27, %scan3A_28 : i32
    %scan3A_30 = arith.constant 1 : i32
    %scan3A_31 = scf.for %scan3A_43 = %scan3A_27 to %scan3A_29 step %scan3A_30 iter_args(%scan3A_44 = %scan3A_26) -> (i32)  : i32 {
      %mul3A_45 = arith.constant 10000 : i32
      %mul3A_46 = arith.muli %add3A, %mul3A_45 : i32
      %mul3A_47 = arith.constant 80 : i32
      %mul3A_48 = arith.muli %scan3A_43, %mul3A_47 : i32
      %add3A_49 = arith.addi %mul3A_46, %mul3A_48 : i32
      %run_scoped3A = arith.constant 0 : i32
      "tpu.region"() ({
        %run_scoped3A_52 = tpu.sem_alloc : memref<!tpu.dma_semaphore, #tpu.memory_space<semaphore_mem>>
        %dma_start3A = arith.constant 0 : i32
        %dma_start3A_53 = tpu.memref_slice %arg4[%run_scoped3A, %dma_start3A] : memref<2x80xi32, #tpu.memory_space<vmem>> -> memref<1x80xi32, #tpu.memory_space<vmem>>
        %dma_start3A_54 = tpu.memref_squeeze %dma_start3A_53 : memref<1x80xi32, #tpu.memory_space<vmem>> -> memref<80xi32, #tpu.memory_space<vmem>>
        %dma_start3A_55 = tpu.memref_slice %arg2[%add3A_49] : memref<320000xi32, #tpu.memory_space<hbm>> -> memref<80xi32, #tpu.memory_space<hbm>>
        %dma_start3A_56 = arith.constant 0 : i32
        %dma_start3A_57 = tpu.memref_slice %arg4[%run_scoped3A, %dma_start3A_56] : memref<2x80xi32, #tpu.memory_space<vmem>> -> memref<1x80xi32, #tpu.memory_space<vmem>>
        %dma_start3A_58 = tpu.memref_squeeze %dma_start3A_57 : memref<1x80xi32, #tpu.memory_space<vmem>> -> memref<80xi32, #tpu.memory_space<vmem>>
        %dma_start3A_59 = tpu.memref_slice %arg2[%add3A_49] : memref<320000xi32, #tpu.memory_space<hbm>> -> memref<80xi32, #tpu.memory_space<hbm>>
        tpu.enqueue_dma source(%dma_start3A_59 : memref<80xi32, #tpu.memory_space<hbm>>) target(%dma_start3A_58 : memref<80xi32, #tpu.memory_space<vmem>>) target_semaphore(%run_scoped3A_52 : memref<!tpu.dma_semaphore, #tpu.memory_space<semaphore_mem>>)
        %dma_wait3A = arith.constant 0 : i32
        %dma_wait3A_60 = tpu.memref_slice %arg4[%run_scoped3A, %dma_wait3A] : memref<2x80xi32, #tpu.memory_space<vmem>> -> memref<1x80xi32, #tpu.memory_space<vmem>>
        %dma_wait3A_61 = tpu.memref_squeeze %dma_wait3A_60 : memref<1x80xi32, #tpu.memory_space<vmem>> -> memref<80xi32, #tpu.memory_space<vmem>>
        %dma_wait3A_62 = tpu.memref_slice %arg2[%add3A_49] : memref<320000xi32, #tpu.memory_space<hbm>> -> memref<80xi32, #tpu.memory_space<hbm>>
        %dma_wait3A_63 = arith.constant 0 : i32
        %dma_wait3A_64 = tpu.memref_slice %arg4[%run_scoped3A, %dma_wait3A_63] : memref<2x80xi32, #tpu.memory_space<vmem>> -> memref<1x80xi32, #tpu.memory_space<vmem>>
        %dma_wait3A_65 = tpu.memref_squeeze %dma_wait3A_64 : memref<1x80xi32, #tpu.memory_space<vmem>> -> memref<80xi32, #tpu.memory_space<vmem>>
        %dma_wait3A_66 = tpu.memref_slice %arg2[%add3A_49] : memref<320000xi32, #tpu.memory_space<hbm>> -> memref<80xi32, #tpu.memory_space<hbm>>
        tpu.wait_dma2 semaphore(%run_scoped3A_52 : memref<!tpu.dma_semaphore, #tpu.memory_space<semaphore_mem>>) src(%dma_wait3A_66 : memref<80xi32, #tpu.memory_space<hbm>>) dst(%dma_wait3A_65 : memref<80xi32, #tpu.memory_space<vmem>>)
        tpu.yield
      }) : () -> ()
      %run_scoped3A_50 = arith.constant 0 : i32
      "tpu.region"() ({
        %run_scoped3A_52 = tpu.sem_alloc : memref<!tpu.dma_semaphore, #tpu.memory_space<semaphore_mem>>
        %dma_start3A = arith.constant 0 : i32
        %dma_start3A_53 = tpu.memref_slice %arg4[%run_scoped3A_50, %dma_start3A] : memref<2x80xi32, #tpu.memory_space<vmem>> -> memref<1x80xi32, #tpu.memory_space<vmem>>
        %dma_start3A_54 = tpu.memref_squeeze %dma_start3A_53 : memref<1x80xi32, #tpu.memory_space<vmem>> -> memref<80xi32, #tpu.memory_space<vmem>>
        %dma_start3A_55 = arith.constant 0 : i32
        %dma_start3A_56 = arith.constant 0 : i32
        %dma_start3A_57 = tpu.memref_slice %arg7[%dma_start3A_55, %dma_start3A_56] : memref<10000x128xf32, #tpu.memory_space<vmem_shared>> -> memref<10000x128xf32, #tpu.memory_space<vmem_shared>>
        tpu.enqueue_indirect_dma source(%arg5 : memref<80x128xf32, #tpu.memory_space<vmem>>) target(%dma_start3A_57 : memref<10000x128xf32, #tpu.memory_space<vmem_shared>>) offsets(%dma_start3A_54 : memref<80xi32, #tpu.memory_space<vmem>>) semaphore(%run_scoped3A_52 : memref<!tpu.dma_semaphore, #tpu.memory_space<semaphore_mem>>) {add = true}
        %dma_wait3A = arith.constant 0 : i32
        %dma_wait3A_58 = tpu.memref_slice %arg4[%run_scoped3A_50, %dma_wait3A] : memref<2x80xi32, #tpu.memory_space<vmem>> -> memref<1x80xi32, #tpu.memory_space<vmem>>
        %dma_wait3A_59 = tpu.memref_squeeze %dma_wait3A_58 : memref<1x80xi32, #tpu.memory_space<vmem>> -> memref<80xi32, #tpu.memory_space<vmem>>
        %dma_wait3A_60 = arith.constant 0 : i32
        %dma_wait3A_61 = arith.constant 0 : i32
        %dma_wait3A_62 = tpu.memref_slice %arg7[%dma_wait3A_60, %dma_wait3A_61] : memref<10000x128xf32, #tpu.memory_space<vmem_shared>> -> memref<10000x128xf32, #tpu.memory_space<vmem_shared>>
        tpu.wait_indirect_dma semaphore(%run_scoped3A_52 : memref<!tpu.dma_semaphore, #tpu.memory_space<semaphore_mem>>) src(%arg5 : memref<80x128xf32, #tpu.memory_space<vmem>>) dst(%dma_wait3A_62 : memref<10000x128xf32, #tpu.memory_space<vmem_shared>>)
        tpu.yield
      }) : () -> ()
      %scan3A_51 = arith.constant 0 : i32
      scf.yield %scan3A_51 : i32
    }
    %scan3A_32 = arith.constant 125 : i32
    %barrier3A_33 = arith.constant 0 : index
    tpu.barrier barrier_id(%barrier3A_33)
    %mul3A_34 = arith.constant 624 : i32
    %mul3A_35 = arith.muli %arg1, %mul3A_34 : i32
    %mul3A_36 = arith.constant 624 : i32
    %mul3A_37 = arith.muli %arg1, %mul3A_36 : i32
    "tpu.region"() ({
      %run_scoped3A = tpu.sem_alloc : memref<!tpu.dma_semaphore, #tpu.memory_space<semaphore_mem>>
      %dma_start3A = arith.constant 0 : i32
      %dma_start3A_43 = tpu.memref_slice %arg3[%arg0, %mul3A_37, %dma_start3A] : memref<2x10000x128xf32, #tpu.memory_space<hbm>> -> memref<1x624x128xf32, #tpu.memory_space<hbm>>
      %dma_start3A_44 = tpu.memref_squeeze %dma_start3A_43 : memref<1x624x128xf32, #tpu.memory_space<hbm>> -> memref<624x128xf32, #tpu.memory_space<hbm>>
      %dma_start3A_45 = arith.constant 0 : i32
      %dma_start3A_46 = tpu.memref_slice %arg7[%mul3A_35, %dma_start3A_45] : memref<10000x128xf32, #tpu.memory_space<vmem_shared>> -> memref<624x128xf32, #tpu.memory_space<vmem_shared>>
      tpu.enqueue_dma source(%dma_start3A_46 : memref<624x128xf32, #tpu.memory_space<vmem_shared>>) target(%dma_start3A_44 : memref<624x128xf32, #tpu.memory_space<hbm>>) target_semaphore(%run_scoped3A : memref<!tpu.dma_semaphore, #tpu.memory_space<semaphore_mem>>)
      %dma_wait3A = arith.constant 0 : i32
      %dma_wait3A_47 = tpu.memref_slice %arg3[%arg0, %mul3A_37, %dma_wait3A] : memref<2x10000x128xf32, #tpu.memory_space<hbm>> -> memref<1x624x128xf32, #tpu.memory_space<hbm>>
      %dma_wait3A_48 = tpu.memref_squeeze %dma_wait3A_47 : memref<1x624x128xf32, #tpu.memory_space<hbm>> -> memref<624x128xf32, #tpu.memory_space<hbm>>
      %dma_wait3A_49 = arith.constant 0 : i32
      %dma_wait3A_50 = tpu.memref_slice %arg7[%mul3A_35, %dma_wait3A_49] : memref<10000x128xf32, #tpu.memory_space<vmem_shared>> -> memref<624x128xf32, #tpu.memory_space<vmem_shared>>
      tpu.wait_dma2 semaphore(%run_scoped3A : memref<!tpu.dma_semaphore, #tpu.memory_space<semaphore_mem>>) src(%dma_wait3A_50 : memref<624x128xf32, #tpu.memory_space<vmem_shared>>) dst(%dma_wait3A_48 : memref<624x128xf32, #tpu.memory_space<hbm>>)
      tpu.yield
    }) : () -> ()
    %eq3A_38 = arith.constant 15 : i32
    %eq3A_39 = arith.cmpi eq, %arg1, %eq3A_38 : i32
    %convert_element_type3A_40 = arith.extui %eq3A_39 : i1 to i32
    %cond3A_41 = arith.constant 0 : i32
    %cond3A_42 = arith.cmpi ne, %convert_element_type3A_40, %cond3A_41 : i32
    scf.if %cond3A_42 {
      "tpu.region"() ({
        %run_scoped3A = tpu.sem_alloc : memref<!tpu.dma_semaphore, #tpu.memory_space<semaphore_mem>>
        %dma_start3A = arith.constant 9984 : i32
        %dma_start3A_43 = arith.constant 0 : i32
        %dma_start3A_44 = tpu.memref_slice %arg3[%arg0, %dma_start3A, %dma_start3A_43] : memref<2x10000x128xf32, #tpu.memory_space<hbm>> -> memref<1x16x128xf32, #tpu.memory_space<hbm>>
        %dma_start3A_45 = tpu.memref_squeeze %dma_start3A_44 : memref<1x16x128xf32, #tpu.memory_space<hbm>> -> memref<16x128xf32, #tpu.memory_space<hbm>>
        %dma_start3A_46 = arith.constant 9984 : i32
        %dma_start3A_47 = arith.constant 0 : i32
        %dma_start3A_48 = tpu.memref_slice %arg7[%dma_start3A_46, %dma_start3A_47] : memref<10000x128xf32, #tpu.memory_space<vmem_shared>> -> memref<16x128xf32, #tpu.memory_space<vmem_shared>>
        tpu.enqueue_dma source(%dma_start3A_48 : memref<16x128xf32, #tpu.memory_space<vmem_shared>>) target(%dma_start3A_45 : memref<16x128xf32, #tpu.memory_space<hbm>>) target_semaphore(%run_scoped3A : memref<!tpu.dma_semaphore, #tpu.memory_space<semaphore_mem>>)
        %dma_wait3A = arith.constant 9984 : i32
        %dma_wait3A_49 = arith.constant 0 : i32
        %dma_wait3A_50 = tpu.memref_slice %arg3[%arg0, %dma_wait3A, %dma_wait3A_49] : memref<2x10000x128xf32, #tpu.memory_space<hbm>> -> memref<1x16x128xf32, #tpu.memory_space<hbm>>
        %dma_wait3A_51 = tpu.memref_squeeze %dma_wait3A_50 : memref<1x16x128xf32, #tpu.memory_space<hbm>> -> memref<16x128xf32, #tpu.memory_space<hbm>>
        %dma_wait3A_52 = arith.constant 9984 : i32
        %dma_wait3A_53 = arith.constant 0 : i32
        %dma_wait3A_54 = tpu.memref_slice %arg7[%dma_wait3A_52, %dma_wait3A_53] : memref<10000x128xf32, #tpu.memory_space<vmem_shared>> -> memref<16x128xf32, #tpu.memory_space<vmem_shared>>
        tpu.wait_dma2 semaphore(%run_scoped3A : memref<!tpu.dma_semaphore, #tpu.memory_space<semaphore_mem>>) src(%dma_wait3A_54 : memref<16x128xf32, #tpu.memory_space<vmem_shared>>) dst(%dma_wait3A_51 : memref<16x128xf32, #tpu.memory_space<hbm>>)
        tpu.yield
      }) : () -> ()
    } else {
    }
    return
  }
}

#map = affine_map<(d0, d1) -> (0)>
#map1 = affine_map<(d0, d1) -> (0, 0)>
#map2 = affine_map<(d0, d1) -> (0, 0, 0)>
module attributes {stable_mosaic.version = 14 : i64} {
  func.func @_sc_edge_body(%arg0: i32, %arg1: i32, %arg2: memref<320000xi32, #tpu.memory_space<hbm>>, %arg3: memref<320000xi32, #tpu.memory_space<hbm>>, %arg4: memref<10000x128xf32, #tpu.memory_space<hbm>>, %arg5: memref<2x10000x128xf32, #tpu.memory_space<hbm>>, %arg6: memref<2x80xi32, #tpu.memory_space<vmem>>, %arg7: memref<80x128xf32, #tpu.memory_space<vmem>>, %arg8: memref<128x128xf32, #tpu.memory_space<vmem>>, %arg9: memref<10000x128xf32, #tpu.memory_space<vmem_shared>>) attributes {dimension_semantics = [#tpu.dimension_semantics<core_parallel>, #tpu.dimension_semantics<subcore_parallel>], iteration_bounds = array<i64: 2, 16>, scalar_prefetch = 0 : i64, scratch_operands = 4 : i64, tpu.core_type = #tpu.core_type<sc_vector_subcore>, window_params = [{transform_indices = #map}, {transform_indices = #map}, {transform_indices = #map1}, {transform_indices = #map2}]} {
    %broadcast_in_dim3A = arith.constant 0.000000e+00 : f32
    %broadcast_in_dim3A_0 = vector.broadcast %broadcast_in_dim3A : f32 to vector<16xf32>
    %scan3A = arith.constant 0 : i32
    %scan3A_1 = arith.constant 0 : i32
    %scan3A_2 = arith.constant 128 : i32
    %scan3A_3 = arith.addi %scan3A_1, %scan3A_2 : i32
    %scan3A_4 = arith.constant 1 : i32
    %scan3A_5 = scf.for %scan3A_36 = %scan3A_1 to %scan3A_3 step %scan3A_4 iter_args(%scan3A_37 = %scan3A) -> (i32)  : i32 {
      %swap3A = arith.index_cast %scan3A_36 : i32 to index
      %swap3A_38 = arith.constant 0 : index
      %swap3A_39 = tpu.vector_load %arg8[%swap3A, %swap3A_38] {strides = array<i32>} : memref<128x128xf32, #tpu.memory_space<vmem>>, vector<1x16xf32>,
      %swap3A_40 = vector.shape_cast %swap3A_39 : vector<1x16xf32> to vector<16xf32>
      %swap3A_41 = vector.shape_cast %broadcast_in_dim3A_0 : vector<16xf32> to vector<1x16xf32>
      tpu.vector_store %arg8[%swap3A, %swap3A_38], %swap3A_41 {strides = array<i32>} : memref<128x128xf32, #tpu.memory_space<vmem>>, vector<1x16xf32>,
      %swap3A_42 = arith.index_cast %scan3A_36 : i32 to index
      %swap3A_43 = arith.constant 16 : index
      %swap3A_44 = tpu.vector_load %arg8[%swap3A_42, %swap3A_43] {strides = array<i32>} : memref<128x128xf32, #tpu.memory_space<vmem>>, vector<1x16xf32>,
      %swap3A_45 = vector.shape_cast %swap3A_44 : vector<1x16xf32> to vector<16xf32>
      %swap3A_46 = vector.shape_cast %broadcast_in_dim3A_0 : vector<16xf32> to vector<1x16xf32>
      tpu.vector_store %arg8[%swap3A_42, %swap3A_43], %swap3A_46 {strides = array<i32>} : memref<128x128xf32, #tpu.memory_space<vmem>>, vector<1x16xf32>,
      %swap3A_47 = arith.index_cast %scan3A_36 : i32 to index
      %swap3A_48 = arith.constant 32 : index
      %swap3A_49 = tpu.vector_load %arg8[%swap3A_47, %swap3A_48] {strides = array<i32>} : memref<128x128xf32, #tpu.memory_space<vmem>>, vector<1x16xf32>,
      %swap3A_50 = vector.shape_cast %swap3A_49 : vector<1x16xf32> to vector<16xf32>
      %swap3A_51 = vector.shape_cast %broadcast_in_dim3A_0 : vector<16xf32> to vector<1x16xf32>
      tpu.vector_store %arg8[%swap3A_47, %swap3A_48], %swap3A_51 {strides = array<i32>} : memref<128x128xf32, #tpu.memory_space<vmem>>, vector<1x16xf32>,
      %swap3A_52 = arith.index_cast %scan3A_36 : i32 to index
      %swap3A_53 = arith.constant 48 : index
      %swap3A_54 = tpu.vector_load %arg8[%swap3A_52, %swap3A_53] {strides = array<i32>} : memref<128x128xf32, #tpu.memory_space<vmem>>, vector<1x16xf32>,
      %swap3A_55 = vector.shape_cast %swap3A_54 : vector<1x16xf32> to vector<16xf32>
      %swap3A_56 = vector.shape_cast %broadcast_in_dim3A_0 : vector<16xf32> to vector<1x16xf32>
      tpu.vector_store %arg8[%swap3A_52, %swap3A_53], %swap3A_56 {strides = array<i32>} : memref<128x128xf32, #tpu.memory_space<vmem>>, vector<1x16xf32>,
      %swap3A_57 = arith.index_cast %scan3A_36 : i32 to index
      %swap3A_58 = arith.constant 64 : index
      %swap3A_59 = tpu.vector_load %arg8[%swap3A_57, %swap3A_58] {strides = array<i32>} : memref<128x128xf32, #tpu.memory_space<vmem>>, vector<1x16xf32>,
      %swap3A_60 = vector.shape_cast %swap3A_59 : vector<1x16xf32> to vector<16xf32>
      %swap3A_61 = vector.shape_cast %broadcast_in_dim3A_0 : vector<16xf32> to vector<1x16xf32>
      tpu.vector_store %arg8[%swap3A_57, %swap3A_58], %swap3A_61 {strides = array<i32>} : memref<128x128xf32, #tpu.memory_space<vmem>>, vector<1x16xf32>,
      %swap3A_62 = arith.index_cast %scan3A_36 : i32 to index
      %swap3A_63 = arith.constant 80 : index
      %swap3A_64 = tpu.vector_load %arg8[%swap3A_62, %swap3A_63] {strides = array<i32>} : memref<128x128xf32, #tpu.memory_space<vmem>>, vector<1x16xf32>,
      %swap3A_65 = vector.shape_cast %swap3A_64 : vector<1x16xf32> to vector<16xf32>
      %swap3A_66 = vector.shape_cast %broadcast_in_dim3A_0 : vector<16xf32> to vector<1x16xf32>
      tpu.vector_store %arg8[%swap3A_62, %swap3A_63], %swap3A_66 {strides = array<i32>} : memref<128x128xf32, #tpu.memory_space<vmem>>, vector<1x16xf32>,
      %swap3A_67 = arith.index_cast %scan3A_36 : i32 to index
      %swap3A_68 = arith.constant 96 : index
      %swap3A_69 = tpu.vector_load %arg8[%swap3A_67, %swap3A_68] {strides = array<i32>} : memref<128x128xf32, #tpu.memory_space<vmem>>, vector<1x16xf32>,
      %swap3A_70 = vector.shape_cast %swap3A_69 : vector<1x16xf32> to vector<16xf32>
      %swap3A_71 = vector.shape_cast %broadcast_in_dim3A_0 : vector<16xf32> to vector<1x16xf32>
      tpu.vector_store %arg8[%swap3A_67, %swap3A_68], %swap3A_71 {strides = array<i32>} : memref<128x128xf32, #tpu.memory_space<vmem>>, vector<1x16xf32>,
      %swap3A_72 = arith.index_cast %scan3A_36 : i32 to index
      %swap3A_73 = arith.constant 112 : index
      %swap3A_74 = tpu.vector_load %arg8[%swap3A_72, %swap3A_73] {strides = array<i32>} : memref<128x128xf32, #tpu.memory_space<vmem>>, vector<1x16xf32>,
      %swap3A_75 = vector.shape_cast %swap3A_74 : vector<1x16xf32> to vector<16xf32>
      %swap3A_76 = vector.shape_cast %broadcast_in_dim3A_0 : vector<16xf32> to vector<1x16xf32>
      tpu.vector_store %arg8[%swap3A_72, %swap3A_73], %swap3A_76 {strides = array<i32>} : memref<128x128xf32, #tpu.memory_space<vmem>>, vector<1x16xf32>,
      %scan3A_77 = arith.constant 0 : i32
      scf.yield %scan3A_77 : i32
    }
    %scan3A_6 = arith.constant 128 : i32
    %scan3A_7 = arith.constant 0 : i32
    %scan3A_8 = arith.constant 0 : i32
    %scan3A_9 = arith.constant 5 : i32
    %scan3A_10 = arith.addi %scan3A_8, %scan3A_9 : i32
    %scan3A_11 = arith.constant 1 : i32
    %scan3A_12 = scf.for %scan3A_36 = %scan3A_8 to %scan3A_10 step %scan3A_11 iter_args(%scan3A_37 = %scan3A_7) -> (i32)  : i32 {
      %mul3A_38 = arith.constant 16 : i32
      %mul3A_39 = arith.muli %scan3A_36, %mul3A_38 : i32
      %add3A_40 = arith.addi %mul3A_39, %arg1 : i32
      %lt3A = arith.constant 78 : i32
      %lt3A_41 = arith.cmpi slt, %add3A_40, %lt3A : i32
      %convert_element_type3A_42 = arith.extui %lt3A_41 : i1 to i32
      %cond3A_43 = arith.constant 0 : i32
      %cond3A_44 = arith.cmpi ne, %convert_element_type3A_42, %cond3A_43 : i32
      scf.if %cond3A_44 {
        %mul3A_46 = arith.constant 128 : i32
        %mul3A_47 = arith.muli %add3A_40, %mul3A_46 : i32
        "tpu.region"() ({
          %run_scoped3A = tpu.sem_alloc : memref<!tpu.dma_semaphore, #tpu.memory_space<semaphore_mem>>
          %dma_start3A = arith.constant 0 : i32
          %dma_start3A_48 = tpu.memref_slice %arg9[%mul3A_47, %dma_start3A] : memref<10000x128xf32, #tpu.memory_space<vmem_shared>> -> memref<128x128xf32, #tpu.memory_space<vmem_shared>>
          %dma_start3A_49 = arith.constant 0 : i32
          %dma_start3A_50 = tpu.memref_slice %arg9[%mul3A_47, %dma_start3A_49] : memref<10000x128xf32, #tpu.memory_space<vmem_shared>> -> memref<128x128xf32, #tpu.memory_space<vmem_shared>>
          tpu.enqueue_dma source(%arg8 : memref<128x128xf32, #tpu.memory_space<vmem>>) target(%dma_start3A_50 : memref<128x128xf32, #tpu.memory_space<vmem_shared>>) target_semaphore(%run_scoped3A : memref<!tpu.dma_semaphore, #tpu.memory_space<semaphore_mem>>)
          %dma_wait3A = arith.constant 0 : i32
          %dma_wait3A_51 = tpu.memref_slice %arg9[%mul3A_47, %dma_wait3A] : memref<10000x128xf32, #tpu.memory_space<vmem_shared>> -> memref<128x128xf32, #tpu.memory_space<vmem_shared>>
          %dma_wait3A_52 = arith.constant 0 : i32
          %dma_wait3A_53 = tpu.memref_slice %arg9[%mul3A_47, %dma_wait3A_52] : memref<10000x128xf32, #tpu.memory_space<vmem_shared>> -> memref<128x128xf32, #tpu.memory_space<vmem_shared>>
          tpu.wait_dma2 semaphore(%run_scoped3A : memref<!tpu.dma_semaphore, #tpu.memory_space<semaphore_mem>>) src(%arg8 : memref<128x128xf32, #tpu.memory_space<vmem>>) dst(%dma_wait3A_53 : memref<128x128xf32, #tpu.memory_space<vmem_shared>>)
          tpu.yield
        }) : () -> ()
      } else {
      }
      %scan3A_45 = arith.constant 0 : i32
      scf.yield %scan3A_45 : i32
    }
    %scan3A_13 = arith.constant 5 : i32
    %eq3A = arith.constant 15 : i32
    %eq3A_14 = arith.cmpi eq, %arg1, %eq3A : i32
    %convert_element_type3A = arith.extui %eq3A_14 : i1 to i32
    %cond3A = arith.constant 0 : i32
    %cond3A_15 = arith.cmpi ne, %convert_element_type3A, %cond3A : i32
    scf.if %cond3A_15 {
      "tpu.region"() ({
        %run_scoped3A = tpu.sem_alloc : memref<!tpu.dma_semaphore, #tpu.memory_space<semaphore_mem>>
        %dma_start3A = arith.constant 0 : i32
        %dma_start3A_36 = arith.constant 0 : i32
        %dma_start3A_37 = tpu.memref_slice %arg8[%dma_start3A, %dma_start3A_36] : memref<128x128xf32, #tpu.memory_space<vmem>> -> memref<16x128xf32, #tpu.memory_space<vmem>>
        %dma_start3A_38 = arith.constant 9984 : i32
        %dma_start3A_39 = arith.constant 0 : i32
        %dma_start3A_40 = tpu.memref_slice %arg9[%dma_start3A_38, %dma_start3A_39] : memref<10000x128xf32, #tpu.memory_space<vmem_shared>> -> memref<16x128xf32, #tpu.memory_space<vmem_shared>>
        %dma_start3A_41 = arith.constant 9984 : i32
        %dma_start3A_42 = arith.constant 0 : i32
        %dma_start3A_43 = tpu.memref_slice %arg9[%dma_start3A_41, %dma_start3A_42] : memref<10000x128xf32, #tpu.memory_space<vmem_shared>> -> memref<16x128xf32, #tpu.memory_space<vmem_shared>>
        %dma_start3A_44 = arith.constant 0 : i32
        %dma_start3A_45 = arith.constant 0 : i32
        %dma_start3A_46 = tpu.memref_slice %arg8[%dma_start3A_44, %dma_start3A_45] : memref<128x128xf32, #tpu.memory_space<vmem>> -> memref<16x128xf32, #tpu.memory_space<vmem>>
        tpu.enqueue_dma source(%dma_start3A_46 : memref<16x128xf32, #tpu.memory_space<vmem>>) target(%dma_start3A_43 : memref<16x128xf32, #tpu.memory_space<vmem_shared>>) target_semaphore(%run_scoped3A : memref<!tpu.dma_semaphore, #tpu.memory_space<semaphore_mem>>)
        %dma_wait3A = arith.constant 0 : i32
        %dma_wait3A_47 = arith.constant 0 : i32
        %dma_wait3A_48 = tpu.memref_slice %arg8[%dma_wait3A, %dma_wait3A_47] : memref<128x128xf32, #tpu.memory_space<vmem>> -> memref<16x128xf32, #tpu.memory_space<vmem>>
        %dma_wait3A_49 = arith.constant 9984 : i32
        %dma_wait3A_50 = arith.constant 0 : i32
        %dma_wait3A_51 = tpu.memref_slice %arg9[%dma_wait3A_49, %dma_wait3A_50] : memref<10000x128xf32, #tpu.memory_space<vmem_shared>> -> memref<16x128xf32, #tpu.memory_space<vmem_shared>>
        %dma_wait3A_52 = arith.constant 9984 : i32
        %dma_wait3A_53 = arith.constant 0 : i32
        %dma_wait3A_54 = tpu.memref_slice %arg9[%dma_wait3A_52, %dma_wait3A_53] : memref<10000x128xf32, #tpu.memory_space<vmem_shared>> -> memref<16x128xf32, #tpu.memory_space<vmem_shared>>
        %dma_wait3A_55 = arith.constant 0 : i32
        %dma_wait3A_56 = arith.constant 0 : i32
        %dma_wait3A_57 = tpu.memref_slice %arg8[%dma_wait3A_55, %dma_wait3A_56] : memref<128x128xf32, #tpu.memory_space<vmem>> -> memref<16x128xf32, #tpu.memory_space<vmem>>
        tpu.wait_dma2 semaphore(%run_scoped3A : memref<!tpu.dma_semaphore, #tpu.memory_space<semaphore_mem>>) src(%dma_wait3A_57 : memref<16x128xf32, #tpu.memory_space<vmem>>) dst(%dma_wait3A_54 : memref<16x128xf32, #tpu.memory_space<vmem_shared>>)
        tpu.yield
      }) : () -> ()
    } else {
    }
    %barrier3A = arith.constant 0 : index
    tpu.barrier barrier_id(%barrier3A)
    %mul3A = arith.constant 160000 : i32
    %mul3A_16 = arith.muli %arg0, %mul3A : i32
    %mul3A_17 = arith.constant 10000 : i32
    %mul3A_18 = arith.muli %arg1, %mul3A_17 : i32
    %add3A = arith.addi %mul3A_16, %mul3A_18 : i32
    %scan3A_19 = arith.constant 0 : i32
    %scan3A_20 = arith.constant 0 : i32
    %scan3A_21 = arith.constant 125 : i32
    %scan3A_22 = arith.addi %scan3A_20, %scan3A_21 : i32
    %scan3A_23 = arith.constant 1 : i32
    %scan3A_24 = scf.for %scan3A_36 = %scan3A_20 to %scan3A_22 step %scan3A_23 iter_args(%scan3A_37 = %scan3A_19) -> (i32)  : i32 {
      %mul3A_38 = arith.constant 80 : i32
      %mul3A_39 = arith.muli %scan3A_36, %mul3A_38 : i32
      %add3A_40 = arith.addi %add3A, %mul3A_39 : i32
      %run_scoped3A = arith.constant 0 : i32
      "tpu.region"() ({
        %run_scoped3A_45 = tpu.sem_alloc : memref<!tpu.dma_semaphore, #tpu.memory_space<semaphore_mem>>
        %dma_start3A = arith.constant 0 : i32
        %dma_start3A_46 = tpu.memref_slice %arg6[%run_scoped3A, %dma_start3A] : memref<2x80xi32, #tpu.memory_space<vmem>> -> memref<1x80xi32, #tpu.memory_space<vmem>>
        %dma_start3A_47 = tpu.memref_squeeze %dma_start3A_46 : memref<1x80xi32, #tpu.memory_space<vmem>> -> memref<80xi32, #tpu.memory_space<vmem>>
        %dma_start3A_48 = tpu.memref_slice %arg2[%add3A_40] : memref<320000xi32, #tpu.memory_space<hbm>> -> memref<80xi32, #tpu.memory_space<hbm>>
        %dma_start3A_49 = arith.constant 0 : i32
        %dma_start3A_50 = tpu.memref_slice %arg6[%run_scoped3A, %dma_start3A_49] : memref<2x80xi32, #tpu.memory_space<vmem>> -> memref<1x80xi32, #tpu.memory_space<vmem>>
        %dma_start3A_51 = tpu.memref_squeeze %dma_start3A_50 : memref<1x80xi32, #tpu.memory_space<vmem>> -> memref<80xi32, #tpu.memory_space<vmem>>
        %dma_start3A_52 = tpu.memref_slice %arg2[%add3A_40] : memref<320000xi32, #tpu.memory_space<hbm>> -> memref<80xi32, #tpu.memory_space<hbm>>
        tpu.enqueue_dma source(%dma_start3A_52 : memref<80xi32, #tpu.memory_space<hbm>>) target(%dma_start3A_51 : memref<80xi32, #tpu.memory_space<vmem>>) target_semaphore(%run_scoped3A_45 : memref<!tpu.dma_semaphore, #tpu.memory_space<semaphore_mem>>)
        %dma_wait3A = arith.constant 0 : i32
        %dma_wait3A_53 = tpu.memref_slice %arg6[%run_scoped3A, %dma_wait3A] : memref<2x80xi32, #tpu.memory_space<vmem>> -> memref<1x80xi32, #tpu.memory_space<vmem>>
        %dma_wait3A_54 = tpu.memref_squeeze %dma_wait3A_53 : memref<1x80xi32, #tpu.memory_space<vmem>> -> memref<80xi32, #tpu.memory_space<vmem>>
        %dma_wait3A_55 = tpu.memref_slice %arg2[%add3A_40] : memref<320000xi32, #tpu.memory_space<hbm>> -> memref<80xi32, #tpu.memory_space<hbm>>
        %dma_wait3A_56 = arith.constant 0 : i32
        %dma_wait3A_57 = tpu.memref_slice %arg6[%run_scoped3A, %dma_wait3A_56] : memref<2x80xi32, #tpu.memory_space<vmem>> -> memref<1x80xi32, #tpu.memory_space<vmem>>
        %dma_wait3A_58 = tpu.memref_squeeze %dma_wait3A_57 : memref<1x80xi32, #tpu.memory_space<vmem>> -> memref<80xi32, #tpu.memory_space<vmem>>
        %dma_wait3A_59 = tpu.memref_slice %arg2[%add3A_40] : memref<320000xi32, #tpu.memory_space<hbm>> -> memref<80xi32, #tpu.memory_space<hbm>>
        tpu.wait_dma2 semaphore(%run_scoped3A_45 : memref<!tpu.dma_semaphore, #tpu.memory_space<semaphore_mem>>) src(%dma_wait3A_59 : memref<80xi32, #tpu.memory_space<hbm>>) dst(%dma_wait3A_58 : memref<80xi32, #tpu.memory_space<vmem>>)
        tpu.yield
      }) : () -> ()
      %run_scoped3A_41 = arith.constant 1 : i32
      "tpu.region"() ({
        %run_scoped3A_45 = tpu.sem_alloc : memref<!tpu.dma_semaphore, #tpu.memory_space<semaphore_mem>>
        %dma_start3A = arith.constant 0 : i32
        %dma_start3A_46 = tpu.memref_slice %arg6[%run_scoped3A_41, %dma_start3A] : memref<2x80xi32, #tpu.memory_space<vmem>> -> memref<1x80xi32, #tpu.memory_space<vmem>>
        %dma_start3A_47 = tpu.memref_squeeze %dma_start3A_46 : memref<1x80xi32, #tpu.memory_space<vmem>> -> memref<80xi32, #tpu.memory_space<vmem>>
        %dma_start3A_48 = tpu.memref_slice %arg3[%add3A_40] : memref<320000xi32, #tpu.memory_space<hbm>> -> memref<80xi32, #tpu.memory_space<hbm>>
        %dma_start3A_49 = arith.constant 0 : i32
        %dma_start3A_50 = tpu.memref_slice %arg6[%run_scoped3A_41, %dma_start3A_49] : memref<2x80xi32, #tpu.memory_space<vmem>> -> memref<1x80xi32, #tpu.memory_space<vmem>>
        %dma_start3A_51 = tpu.memref_squeeze %dma_start3A_50 : memref<1x80xi32, #tpu.memory_space<vmem>> -> memref<80xi32, #tpu.memory_space<vmem>>
        %dma_start3A_52 = tpu.memref_slice %arg3[%add3A_40] : memref<320000xi32, #tpu.memory_space<hbm>> -> memref<80xi32, #tpu.memory_space<hbm>>
        tpu.enqueue_dma source(%dma_start3A_52 : memref<80xi32, #tpu.memory_space<hbm>>) target(%dma_start3A_51 : memref<80xi32, #tpu.memory_space<vmem>>) target_semaphore(%run_scoped3A_45 : memref<!tpu.dma_semaphore, #tpu.memory_space<semaphore_mem>>)
        %dma_wait3A = arith.constant 0 : i32
        %dma_wait3A_53 = tpu.memref_slice %arg6[%run_scoped3A_41, %dma_wait3A] : memref<2x80xi32, #tpu.memory_space<vmem>> -> memref<1x80xi32, #tpu.memory_space<vmem>>
        %dma_wait3A_54 = tpu.memref_squeeze %dma_wait3A_53 : memref<1x80xi32, #tpu.memory_space<vmem>> -> memref<80xi32, #tpu.memory_space<vmem>>
        %dma_wait3A_55 = tpu.memref_slice %arg3[%add3A_40] : memref<320000xi32, #tpu.memory_space<hbm>> -> memref<80xi32, #tpu.memory_space<hbm>>
        %dma_wait3A_56 = arith.constant 0 : i32
        %dma_wait3A_57 = tpu.memref_slice %arg6[%run_scoped3A_41, %dma_wait3A_56] : memref<2x80xi32, #tpu.memory_space<vmem>> -> memref<1x80xi32, #tpu.memory_space<vmem>>
        %dma_wait3A_58 = tpu.memref_squeeze %dma_wait3A_57 : memref<1x80xi32, #tpu.memory_space<vmem>> -> memref<80xi32, #tpu.memory_space<vmem>>
        %dma_wait3A_59 = tpu.memref_slice %arg3[%add3A_40] : memref<320000xi32, #tpu.memory_space<hbm>> -> memref<80xi32, #tpu.memory_space<hbm>>
        tpu.wait_dma2 semaphore(%run_scoped3A_45 : memref<!tpu.dma_semaphore, #tpu.memory_space<semaphore_mem>>) src(%dma_wait3A_59 : memref<80xi32, #tpu.memory_space<hbm>>) dst(%dma_wait3A_58 : memref<80xi32, #tpu.memory_space<vmem>>)
        tpu.yield
      }) : () -> ()
      %run_scoped3A_42 = arith.constant 0 : i32
      "tpu.region"() ({
        %run_scoped3A_45 = tpu.sem_alloc : memref<!tpu.dma_semaphore, #tpu.memory_space<semaphore_mem>>
        %dma_start3A = arith.constant 0 : i32
        %dma_start3A_46 = tpu.memref_slice %arg6[%run_scoped3A_42, %dma_start3A] : memref<2x80xi32, #tpu.memory_space<vmem>> -> memref<1x80xi32, #tpu.memory_space<vmem>>
        %dma_start3A_47 = tpu.memref_squeeze %dma_start3A_46 : memref<1x80xi32, #tpu.memory_space<vmem>> -> memref<80xi32, #tpu.memory_space<vmem>>
        %dma_start3A_48 = arith.constant 0 : i32
        %dma_start3A_49 = arith.constant 0 : i32
        %dma_start3A_50 = tpu.memref_slice %arg4[%dma_start3A_48, %dma_start3A_49] : memref<10000x128xf32, #tpu.memory_space<hbm>> -> memref<10000x128xf32, #tpu.memory_space<hbm>>
        tpu.enqueue_indirect_dma source(%dma_start3A_50 : memref<10000x128xf32, #tpu.memory_space<hbm>>) target(%arg7 : memref<80x128xf32, #tpu.memory_space<vmem>>) offsets(%dma_start3A_47 : memref<80xi32, #tpu.memory_space<vmem>>) semaphore(%run_scoped3A_45 : memref<!tpu.dma_semaphore, #tpu.memory_space<semaphore_mem>>)
        %dma_wait3A = arith.constant 0 : i32
        %dma_wait3A_51 = tpu.memref_slice %arg6[%run_scoped3A_42, %dma_wait3A] : memref<2x80xi32, #tpu.memory_space<vmem>> -> memref<1x80xi32, #tpu.memory_space<vmem>>
        %dma_wait3A_52 = tpu.memref_squeeze %dma_wait3A_51 : memref<1x80xi32, #tpu.memory_space<vmem>> -> memref<80xi32, #tpu.memory_space<vmem>>
        %dma_wait3A_53 = arith.constant 0 : i32
        %dma_wait3A_54 = arith.constant 0 : i32
        %dma_wait3A_55 = tpu.memref_slice %arg4[%dma_wait3A_53, %dma_wait3A_54] : memref<10000x128xf32, #tpu.memory_space<hbm>> -> memref<10000x128xf32, #tpu.memory_space<hbm>>
        tpu.wait_indirect_dma semaphore(%run_scoped3A_45 : memref<!tpu.dma_semaphore, #tpu.memory_space<semaphore_mem>>) src(%dma_wait3A_55 : memref<10000x128xf32, #tpu.memory_space<hbm>>) dst(%arg7 : memref<80x128xf32, #tpu.memory_space<vmem>>)
        tpu.yield
      }) : () -> ()
      %run_scoped3A_43 = arith.constant 1 : i32
      "tpu.region"() ({
        %run_scoped3A_45 = tpu.sem_alloc : memref<!tpu.dma_semaphore, #tpu.memory_space<semaphore_mem>>
        %dma_start3A = arith.constant 0 : i32
        %dma_start3A_46 = tpu.memref_slice %arg6[%run_scoped3A_43, %dma_start3A] : memref<2x80xi32, #tpu.memory_space<vmem>> -> memref<1x80xi32, #tpu.memory_space<vmem>>
        %dma_start3A_47 = tpu.memref_squeeze %dma_start3A_46 : memref<1x80xi32, #tpu.memory_space<vmem>> -> memref<80xi32, #tpu.memory_space<vmem>>
        %dma_start3A_48 = arith.constant 0 : i32
        %dma_start3A_49 = arith.constant 0 : i32
        %dma_start3A_50 = tpu.memref_slice %arg9[%dma_start3A_48, %dma_start3A_49] : memref<10000x128xf32, #tpu.memory_space<vmem_shared>> -> memref<10000x128xf32, #tpu.memory_space<vmem_shared>>
        tpu.enqueue_indirect_dma source(%arg7 : memref<80x128xf32, #tpu.memory_space<vmem>>) target(%dma_start3A_50 : memref<10000x128xf32, #tpu.memory_space<vmem_shared>>) offsets(%dma_start3A_47 : memref<80xi32, #tpu.memory_space<vmem>>) semaphore(%run_scoped3A_45 : memref<!tpu.dma_semaphore, #tpu.memory_space<semaphore_mem>>) {add = true}
        %dma_wait3A = arith.constant 0 : i32
        %dma_wait3A_51 = tpu.memref_slice %arg6[%run_scoped3A_43, %dma_wait3A] : memref<2x80xi32, #tpu.memory_space<vmem>> -> memref<1x80xi32, #tpu.memory_space<vmem>>
        %dma_wait3A_52 = tpu.memref_squeeze %dma_wait3A_51 : memref<1x80xi32, #tpu.memory_space<vmem>> -> memref<80xi32, #tpu.memory_space<vmem>>
        %dma_wait3A_53 = arith.constant 0 : i32
        %dma_wait3A_54 = arith.constant 0 : i32
        %dma_wait3A_55 = tpu.memref_slice %arg9[%dma_wait3A_53, %dma_wait3A_54] : memref<10000x128xf32, #tpu.memory_space<vmem_shared>> -> memref<10000x128xf32, #tpu.memory_space<vmem_shared>>
        tpu.wait_indirect_dma semaphore(%run_scoped3A_45 : memref<!tpu.dma_semaphore, #tpu.memory_space<semaphore_mem>>) src(%arg7 : memref<80x128xf32, #tpu.memory_space<vmem>>) dst(%dma_wait3A_55 : memref<10000x128xf32, #tpu.memory_space<vmem_shared>>)
        tpu.yield
      }) : () -> ()
      %scan3A_44 = arith.constant 0 : i32
      scf.yield %scan3A_44 : i32
    }
    %scan3A_25 = arith.constant 125 : i32
    %barrier3A_26 = arith.constant 0 : index
    tpu.barrier barrier_id(%barrier3A_26)
    %mul3A_27 = arith.constant 624 : i32
    %mul3A_28 = arith.muli %arg1, %mul3A_27 : i32
    %mul3A_29 = arith.constant 624 : i32
    %mul3A_30 = arith.muli %arg1, %mul3A_29 : i32
    "tpu.region"() ({
      %run_scoped3A = tpu.sem_alloc : memref<!tpu.dma_semaphore, #tpu.memory_space<semaphore_mem>>
      %dma_start3A = arith.constant 0 : i32
      %dma_start3A_36 = tpu.memref_slice %arg5[%arg0, %mul3A_30, %dma_start3A] : memref<2x10000x128xf32, #tpu.memory_space<hbm>> -> memref<1x624x128xf32, #tpu.memory_space<hbm>>
      %dma_start3A_37 = tpu.memref_squeeze %dma_start3A_36 : memref<1x624x128xf32, #tpu.memory_space<hbm>> -> memref<624x128xf32, #tpu.memory_space<hbm>>
      %dma_start3A_38 = arith.constant 0 : i32
      %dma_start3A_39 = tpu.memref_slice %arg9[%mul3A_28, %dma_start3A_38] : memref<10000x128xf32, #tpu.memory_space<vmem_shared>> -> memref<624x128xf32, #tpu.memory_space<vmem_shared>>
      tpu.enqueue_dma source(%dma_start3A_39 : memref<624x128xf32, #tpu.memory_space<vmem_shared>>) target(%dma_start3A_37 : memref<624x128xf32, #tpu.memory_space<hbm>>) target_semaphore(%run_scoped3A : memref<!tpu.dma_semaphore, #tpu.memory_space<semaphore_mem>>)
      %dma_wait3A = arith.constant 0 : i32
      %dma_wait3A_40 = tpu.memref_slice %arg5[%arg0, %mul3A_30, %dma_wait3A] : memref<2x10000x128xf32, #tpu.memory_space<hbm>> -> memref<1x624x128xf32, #tpu.memory_space<hbm>>
      %dma_wait3A_41 = tpu.memref_squeeze %dma_wait3A_40 : memref<1x624x128xf32, #tpu.memory_space<hbm>> -> memref<624x128xf32, #tpu.memory_space<hbm>>
      %dma_wait3A_42 = arith.constant 0 : i32
      %dma_wait3A_43 = tpu.memref_slice %arg9[%mul3A_28, %dma_wait3A_42] : memref<10000x128xf32, #tpu.memory_space<vmem_shared>> -> memref<624x128xf32, #tpu.memory_space<vmem_shared>>
      tpu.wait_dma2 semaphore(%run_scoped3A : memref<!tpu.dma_semaphore, #tpu.memory_space<semaphore_mem>>) src(%dma_wait3A_43 : memref<624x128xf32, #tpu.memory_space<vmem_shared>>) dst(%dma_wait3A_41 : memref<624x128xf32, #tpu.memory_space<hbm>>)
      tpu.yield
    }) : () -> ()
    %eq3A_31 = arith.constant 15 : i32
    %eq3A_32 = arith.cmpi eq, %arg1, %eq3A_31 : i32
    %convert_element_type3A_33 = arith.extui %eq3A_32 : i1 to i32
    %cond3A_34 = arith.constant 0 : i32
    %cond3A_35 = arith.cmpi ne, %convert_element_type3A_33, %cond3A_34 : i32
    scf.if %cond3A_35 {
      "tpu.region"() ({
        %run_scoped3A = tpu.sem_alloc : memref<!tpu.dma_semaphore, #tpu.memory_space<semaphore_mem>>
        %dma_start3A = arith.constant 9984 : i32
        %dma_start3A_36 = arith.constant 0 : i32
        %dma_start3A_37 = tpu.memref_slice %arg5[%arg0, %dma_start3A, %dma_start3A_36] : memref<2x10000x128xf32, #tpu.memory_space<hbm>> -> memref<1x16x128xf32, #tpu.memory_space<hbm>>
        %dma_start3A_38 = tpu.memref_squeeze %dma_start3A_37 : memref<1x16x128xf32, #tpu.memory_space<hbm>> -> memref<16x128xf32, #tpu.memory_space<hbm>>
        %dma_start3A_39 = arith.constant 9984 : i32
        %dma_start3A_40 = arith.constant 0 : i32
        %dma_start3A_41 = tpu.memref_slice %arg9[%dma_start3A_39, %dma_start3A_40] : memref<10000x128xf32, #tpu.memory_space<vmem_shared>> -> memref<16x128xf32, #tpu.memory_space<vmem_shared>>
        tpu.enqueue_dma source(%dma_start3A_41 : memref<16x128xf32, #tpu.memory_space<vmem_shared>>) target(%dma_start3A_38 : memref<16x128xf32, #tpu.memory_space<hbm>>) target_semaphore(%run_scoped3A : memref<!tpu.dma_semaphore, #tpu.memory_space<semaphore_mem>>)
        %dma_wait3A = arith.constant 9984 : i32
        %dma_wait3A_42 = arith.constant 0 : i32
        %dma_wait3A_43 = tpu.memref_slice %arg5[%arg0, %dma_wait3A, %dma_wait3A_42] : memref<2x10000x128xf32, #tpu.memory_space<hbm>> -> memref<1x16x128xf32, #tpu.memory_space<hbm>>
        %dma_wait3A_44 = tpu.memref_squeeze %dma_wait3A_43 : memref<1x16x128xf32, #tpu.memory_space<hbm>> -> memref<16x128xf32, #tpu.memory_space<hbm>>
        %dma_wait3A_45 = arith.constant 9984 : i32
        %dma_wait3A_46 = arith.constant 0 : i32
        %dma_wait3A_47 = tpu.memref_slice %arg9[%dma_wait3A_45, %dma_wait3A_46] : memref<10000x128xf32, #tpu.memory_space<vmem_shared>> -> memref<16x128xf32, #tpu.memory_space<vmem_shared>>
        tpu.wait_dma2 semaphore(%run_scoped3A : memref<!tpu.dma_semaphore, #tpu.memory_space<semaphore_mem>>) src(%dma_wait3A_47 : memref<16x128xf32, #tpu.memory_space<vmem_shared>>) dst(%dma_wait3A_44 : memref<16x128xf32, #tpu.memory_space<hbm>>)
        tpu.yield
      }) : () -> ()
    } else {
    }
    return
  }
}

module attributes {stable_mosaic.version = 14 : i64} {
  func.func @_tc_prep_body(%arg0: i32, %arg1: memref<2000x2xf32, #tpu.memory_space<vmem>>, %arg2: memref<2000x128xf32, #tpu.memory_space<vmem>>, %arg3: memref<128x128xf32, #tpu.memory_space<vmem>>, %arg4: memref<2000x128xf32, #tpu.memory_space<vmem>>, %arg5: memref<2000x128xf32, #tpu.memory_space<vmem>>) attributes {dimension_semantics = [#tpu.dimension_semantics<arbitrary>], iteration_bounds = array<i64: 5>, scalar_prefetch = 0 : i64, scratch_operands = 0 : i64, tpu.core_type = #tpu.core_type<tc>, window_params = [{transform_indices = @transform_0, window_bounds = array<i64: 2000, 2>}, {transform_indices = @transform_1, window_bounds = array<i64: 2000, 128>}, {pipeline_mode = #tpu.pipeline_mode<synchronous>, transform_indices = @transform_2, window_bounds = array<i64: 128, 128>}, {transform_indices = @transform_3, window_bounds = array<i64: 2000, 128>}, {transform_indices = @transform_4, window_bounds = array<i64: 2000, 128>}]} {
    %get3A = arith.constant 0 : index
    %get3A_0 = arith.constant 0 : index
    %get3A_1 = vector.load %arg1[%get3A, %get3A_0] : memref<2000x2xf32, #tpu.memory_space<vmem>>, vector<2000x2xf32>
    %reduce_sum3A = arith.constant dense<0.000000e+00> : vector<2000xf32>
    %reduce_sum3A_2 = vector.multi_reduction <add>, %get3A_1, %reduce_sum3A [1] : vector<2000x2xf32> to vector<2000xf32>
    %gt3A = arith.constant 0.000000e+00 : f32
    %gt3A_3 = vector.broadcast %gt3A : f32 to vector<2000xf32>
    %gt3A_4 = arith.cmpf ogt, %reduce_sum3A_2, %gt3A_3 : vector<2000xf32>
    %max3A = arith.constant 9.99999996E-13 : f32
    %max3A_5 = vector.broadcast %max3A : f32 to vector<2000xf32>
    %max3A_6 = arith.maximumf %reduce_sum3A_2, %max3A_5 : vector<2000xf32>
    %rsqrt3A = math.rsqrt %max3A_6 : vector<2000xf32>
    %jit3A = arith.constant 0.000000e+00 : f32
    %broadcast_in_dim3A = vector.broadcast %jit3A : f32 to vector<2000xf32>
    %select_n3A = arith.select %gt3A_4, %rsqrt3A, %broadcast_in_dim3A : vector<2000xi1>, vector<2000xf32>
    %get3A_7 = arith.constant 0 : index
    %get3A_8 = arith.constant 0 : index
    %get3A_9 = vector.load %arg2[%get3A_7, %get3A_8] : memref<2000x128xf32, #tpu.memory_space<vmem>>, vector<2000x128xf32>
    %broadcast_in_dim3A_10 = vector.shape_cast %select_n3A : vector<2000xf32> to vector<2000x1xf32>
    %mul3A = vector.broadcast %broadcast_in_dim3A_10 : vector<2000x1xf32> to vector<2000x128xf32>
    %mul3A_11 = arith.mulf %get3A_9, %mul3A : vector<2000x128xf32>
    %swap3A = arith.constant 0 : index
    %swap3A_12 = arith.constant 0 : index
    %swap3A_13 = vector.load %arg4[%swap3A, %swap3A_12] : memref<2000x128xf32, #tpu.memory_space<vmem>>, vector<2000x128xf32>
    tpu.vector_store %arg4[%swap3A, %swap3A_12], %mul3A_11 {strides = array<i32>} : memref<2000x128xf32, #tpu.memory_space<vmem>>, vector<2000x128xf32>,
    %get3A_14 = arith.constant 0 : index
    %get3A_15 = arith.constant 0 : index
    %get3A_16 = vector.load %arg3[%get3A_14, %get3A_15] : memref<128x128xf32, #tpu.memory_space<vmem>>, vector<128x128xf32>
    %dot_general3A = arith.constant dense<0.000000e+00> : vector<2000x128xf32>
    %dot_general3A_17 = tpu.matmul %get3A_9, %get3A_16, %dot_general3A {dimension_numbers = #tpu.dot_dimension_numbers<[1], [0], [0], [1], [0, 0, 1, 1], [], []>, transpose_lhs_hint = false} : vector<2000x128xf32>, vector<128x128xf32>, vector<2000x128xf32> -> vector<2000x128xf32>
    %swap3A_18 = arith.constant 0 : index
    %swap3A_19 = arith.constant 0 : index
    %swap3A_20 = vector.load %arg5[%swap3A_18, %swap3A_19] : memref<2000x128xf32, #tpu.memory_space<vmem>>, vector<2000x128xf32>
    tpu.vector_store %arg5[%swap3A_18, %swap3A_19], %dot_general3A_17 {strides = array<i32>} : memref<2000x128xf32, #tpu.memory_space<vmem>>, vector<2000x128xf32>,
    return
  }
  func.func @transform_0(%arg0: i32) -> (i32, i32) {
    %c0_i32 = arith.constant 0 : i32
    %c0_i32_0 = arith.constant 0 : i32
    return %arg0, %c0_i32 : i32, i32
  }
  func.func @transform_1(%arg0: i32) -> (i32, i32) {
    %c0_i32 = arith.constant 0 : i32
    %c0_i32_0 = arith.constant 0 : i32
    return %arg0, %c0_i32 : i32, i32
  }
  func.func @transform_2(%arg0: i32) -> (i32, i32) {
    %c0_i32 = arith.constant 0 : i32
    %c0_i32_0 = arith.constant 0 : i32
    %c0_i32_1 = arith.constant 0 : i32
    return %c0_i32, %c0_i32_0 : i32, i32
  }
  func.func @transform_3(%arg0: i32) -> (i32, i32) {
    %c0_i32 = arith.constant 0 : i32
    %c0_i32_0 = arith.constant 0 : i32
    return %arg0, %c0_i32 : i32, i32
  }
  func.func @transform_4(%arg0: i32) -> (i32, i32) {
    %c0_i32 = arith.constant 0 : i32
    %c0_i32_0 = arith.constant 0 : i32
    return %arg0, %c0_i32 : i32, i32
  }
}

module attributes {stable_mosaic.version = 14 : i64} {
  func.func @_tc_l1_body(%arg0: i32, %arg1: memref<2000x2xf32, #tpu.memory_space<vmem>>, %arg2: memref<2000x128xf32, #tpu.memory_space<vmem>>, %arg3: memref<2x2000x128xf32, #tpu.memory_space<vmem>>, %arg4: memref<128x128xf32, #tpu.memory_space<vmem>>, %arg5: memref<1x128xf32, #tpu.memory_space<vmem>>, %arg6: memref<128x128xf32, #tpu.memory_space<vmem>>, %arg7: memref<2000x128xf32, #tpu.memory_space<vmem>>, %arg8: memref<2000x128xf32, #tpu.memory_space<vmem>>) attributes {dimension_semantics = [#tpu.dimension_semantics<arbitrary>], iteration_bounds = array<i64: 5>, scalar_prefetch = 0 : i64, scratch_operands = 0 : i64, tpu.core_type = #tpu.core_type<tc>, window_params = [{transform_indices = @transform_0, window_bounds = array<i64: 2000, 2>}, {transform_indices = @transform_1, window_bounds = array<i64: 2000, 128>}, {transform_indices = @transform_2, window_bounds = array<i64: 2, 2000, 128>}, {pipeline_mode = #tpu.pipeline_mode<synchronous>, transform_indices = @transform_3, window_bounds = array<i64: 128, 128>}, {pipeline_mode = #tpu.pipeline_mode<synchronous>, transform_indices = @transform_4, window_bounds = array<i64: 1, 128>}, {pipeline_mode = #tpu.pipeline_mode<synchronous>, transform_indices = @transform_5, window_bounds = array<i64: 128, 128>}, {transform_indices = @transform_6, window_bounds = array<i64: 2000, 128>}, {transform_indices = @transform_7, window_bounds = array<i64: 2000, 128>}]} {
    %get3A = arith.constant 0 : index
    %get3A_0 = arith.constant 0 : index
    %get3A_1 = vector.load %arg1[%get3A, %get3A_0] : memref<2000x2xf32, #tpu.memory_space<vmem>>, vector<2000x2xf32>
    %reduce_sum3A = arith.constant dense<0.000000e+00> : vector<2000xf32>
    %reduce_sum3A_2 = vector.multi_reduction <add>, %get3A_1, %reduce_sum3A [1] : vector<2000x2xf32> to vector<2000xf32>
    %gt3A = arith.constant 0.000000e+00 : f32
    %gt3A_3 = vector.broadcast %gt3A : f32 to vector<2000xf32>
    %gt3A_4 = arith.cmpf ogt, %reduce_sum3A_2, %gt3A_3 : vector<2000xf32>
    %max3A = arith.constant 9.99999996E-13 : f32
    %max3A_5 = vector.broadcast %max3A : f32 to vector<2000xf32>
    %max3A_6 = arith.maximumf %reduce_sum3A_2, %max3A_5 : vector<2000xf32>
    %rsqrt3A = math.rsqrt %max3A_6 : vector<2000xf32>
    %jit3A = arith.constant 0.000000e+00 : f32
    %broadcast_in_dim3A = vector.broadcast %jit3A : f32 to vector<2000xf32>
    %select_n3A = arith.select %gt3A_4, %rsqrt3A, %broadcast_in_dim3A : vector<2000xi1>, vector<2000xf32>
    %get3A_7 = arith.constant 0 : index
    %get3A_8 = arith.constant 0 : index
    %get3A_9 = arith.constant 0 : index
    %get3A_10 = vector.load %arg3[%get3A_7, %get3A_8, %get3A_9] : memref<2x2000x128xf32, #tpu.memory_space<vmem>>, vector<1x2000x128xf32>
    %get3A_11 = vector.shape_cast %get3A_10 : vector<1x2000x128xf32> to vector<2000x128xf32>
    %get3A_12 = arith.constant 1 : index
    %get3A_13 = arith.constant 0 : index
    %get3A_14 = arith.constant 0 : index
    %get3A_15 = vector.load %arg3[%get3A_12, %get3A_13, %get3A_14] : memref<2x2000x128xf32, #tpu.memory_space<vmem>>, vector<1x2000x128xf32>
    %get3A_16 = vector.shape_cast %get3A_15 : vector<1x2000x128xf32> to vector<2000x128xf32>
    %add3A = arith.addf %get3A_11, %get3A_16 : vector<2000x128xf32>
    %get3A_17 = arith.constant 0 : index
    %get3A_18 = arith.constant 0 : index
    %get3A_19 = vector.load %arg4[%get3A_17, %get3A_18] : memref<128x128xf32, #tpu.memory_space<vmem>>, vector<128x128xf32>
    %dot_general3A = arith.constant dense<0.000000e+00> : vector<2000x128xf32>
    %dot_general3A_20 = tpu.matmul %add3A, %get3A_19, %dot_general3A {dimension_numbers = #tpu.dot_dimension_numbers<[1], [0], [0], [1], [0, 0, 1, 1], [], []>, transpose_lhs_hint = false} : vector<2000x128xf32>, vector<128x128xf32>, vector<2000x128xf32> -> vector<2000x128xf32>
    %get3A_21 = arith.constant 0 : index
    %get3A_22 = arith.constant 0 : index
    %get3A_23 = vector.load %arg2[%get3A_21, %get3A_22] : memref<2000x128xf32, #tpu.memory_space<vmem>>, vector<2000x128xf32>
    %broadcast_in_dim3A_24 = vector.shape_cast %select_n3A : vector<2000xf32> to vector<2000x1xf32>
    %mul3A = vector.broadcast %broadcast_in_dim3A_24 : vector<2000x1xf32> to vector<2000x128xf32>
    %mul3A_25 = arith.mulf %mul3A, %dot_general3A_20 : vector<2000x128xf32>
    %sub3A = arith.subf %get3A_23, %mul3A_25 : vector<2000x128xf32>
    %get3A_26 = arith.constant 0 : index
    %get3A_27 = arith.constant 0 : index
    %get3A_28 = vector.load %arg5[%get3A_26, %get3A_27] : memref<1x128xf32, #tpu.memory_space<vmem>>, vector<1x128xf32>
    %add3A_29 = vector.broadcast %get3A_28 : vector<1x128xf32> to vector<2000x128xf32>
    %add3A_30 = arith.addf %sub3A, %add3A_29 : vector<2000x128xf32>
    %max3A_31 = arith.constant 0.000000e+00 : f32
    %max3A_32 = vector.broadcast %max3A_31 : f32 to vector<2000x128xf32>
    %max3A_33 = arith.maximumf %add3A_30, %max3A_32 : vector<2000x128xf32>
    %broadcast_in_dim3A_34 = vector.shape_cast %select_n3A : vector<2000xf32> to vector<2000x1xf32>
    %mul3A_35 = vector.broadcast %broadcast_in_dim3A_34 : vector<2000x1xf32> to vector<2000x128xf32>
    %mul3A_36 = arith.mulf %max3A_33, %mul3A_35 : vector<2000x128xf32>
    %swap3A = arith.constant 0 : index
    %swap3A_37 = arith.constant 0 : index
    %swap3A_38 = vector.load %arg7[%swap3A, %swap3A_37] : memref<2000x128xf32, #tpu.memory_space<vmem>>, vector<2000x128xf32>
    tpu.vector_store %arg7[%swap3A, %swap3A_37], %mul3A_36 {strides = array<i32>} : memref<2000x128xf32, #tpu.memory_space<vmem>>, vector<2000x128xf32>,
    %get3A_39 = arith.constant 0 : index
    %get3A_40 = arith.constant 0 : index
    %get3A_41 = vector.load %arg6[%get3A_39, %get3A_40] : memref<128x128xf32, #tpu.memory_space<vmem>>, vector<128x128xf32>
    %dot_general3A_42 = arith.constant dense<0.000000e+00> : vector<2000x128xf32>
    %dot_general3A_43 = tpu.matmul %max3A_33, %get3A_41, %dot_general3A_42 {dimension_numbers = #tpu.dot_dimension_numbers<[1], [0], [0], [1], [0, 0, 1, 1], [], []>, transpose_lhs_hint = false} : vector<2000x128xf32>, vector<128x128xf32>, vector<2000x128xf32> -> vector<2000x128xf32>
    %swap3A_44 = arith.constant 0 : index
    %swap3A_45 = arith.constant 0 : index
    %swap3A_46 = vector.load %arg8[%swap3A_44, %swap3A_45] : memref<2000x128xf32, #tpu.memory_space<vmem>>, vector<2000x128xf32>
    tpu.vector_store %arg8[%swap3A_44, %swap3A_45], %dot_general3A_43 {strides = array<i32>} : memref<2000x128xf32, #tpu.memory_space<vmem>>, vector<2000x128xf32>,
    return
  }
  func.func @transform_0(%arg0: i32) -> (i32, i32) {
    %c0_i32 = arith.constant 0 : i32
    %c0_i32_0 = arith.constant 0 : i32
    return %arg0, %c0_i32 : i32, i32
  }
  func.func @transform_1(%arg0: i32) -> (i32, i32) {
    %c0_i32 = arith.constant 0 : i32
    %c0_i32_0 = arith.constant 0 : i32
    return %arg0, %c0_i32 : i32, i32
  }
  func.func @transform_2(%arg0: i32) -> (i32, i32, i32) {
    %c0_i32 = arith.constant 0 : i32
    %c0_i32_0 = arith.constant 0 : i32
    %c0_i32_1 = arith.constant 0 : i32
    return %c0_i32, %arg0, %c0_i32_0 : i32, i32, i32
  }
  func.func @transform_3(%arg0: i32) -> (i32, i32) {
    %c0_i32 = arith.constant 0 : i32
    %c0_i32_0 = arith.constant 0 : i32
    %c0_i32_1 = arith.constant 0 : i32
    return %c0_i32, %c0_i32_0 : i32, i32
  }
  func.func @transform_4(%arg0: i32) -> (i32, i32) {
    %c0_i32 = arith.constant 0 : i32
    %c0_i32_0 = arith.constant 0 : i32
    %c0_i32_1 = arith.constant 0 : i32
    return %c0_i32, %c0_i32_0 : i32, i32
  }
  func.func @transform_5(%arg0: i32) -> (i32, i32) {
    %c0_i32 = arith.constant 0 : i32
    %c0_i32_0 = arith.constant 0 : i32
    %c0_i32_1 = arith.constant 0 : i32
    return %c0_i32, %c0_i32_0 : i32, i32
  }
  func.func @transform_6(%arg0: i32) -> (i32, i32) {
    %c0_i32 = arith.constant 0 : i32
    %c0_i32_0 = arith.constant 0 : i32
    return %arg0, %c0_i32 : i32, i32
  }
  func.func @transform_7(%arg0: i32) -> (i32, i32) {
    %c0_i32 = arith.constant 0 : i32
    %c0_i32_0 = arith.constant 0 : i32
    return %arg0, %c0_i32 : i32, i32
  }
}

module attributes {stable_mosaic.version = 14 : i64} {
  func.func @_tc_l2_body(%arg0: i32, %arg1: memref<2000x2xf32, #tpu.memory_space<vmem>>, %arg2: memref<2000x128xf32, #tpu.memory_space<vmem>>, %arg3: memref<2x2000x128xf32, #tpu.memory_space<vmem>>, %arg4: memref<128x128xf32, #tpu.memory_space<vmem>>, %arg5: memref<1x128xf32, #tpu.memory_space<vmem>>, %arg6: memref<2000x128xf32, #tpu.memory_space<vmem>>) attributes {dimension_semantics = [#tpu.dimension_semantics<arbitrary>], iteration_bounds = array<i64: 5>, scalar_prefetch = 0 : i64, scratch_operands = 0 : i64, tpu.core_type = #tpu.core_type<tc>, window_params = [{transform_indices = @transform_0, window_bounds = array<i64: 2000, 2>}, {transform_indices = @transform_1, window_bounds = array<i64: 2000, 128>}, {transform_indices = @transform_2, window_bounds = array<i64: 2, 2000, 128>}, {pipeline_mode = #tpu.pipeline_mode<synchronous>, transform_indices = @transform_3, window_bounds = array<i64: 128, 128>}, {pipeline_mode = #tpu.pipeline_mode<synchronous>, transform_indices = @transform_4, window_bounds = array<i64: 1, 128>}, {transform_indices = @transform_5, window_bounds = array<i64: 2000, 128>}]} {
    %get3A = arith.constant 0 : index
    %get3A_0 = arith.constant 0 : index
    %get3A_1 = vector.load %arg1[%get3A, %get3A_0] : memref<2000x2xf32, #tpu.memory_space<vmem>>, vector<2000x2xf32>
    %reduce_sum3A = arith.constant dense<0.000000e+00> : vector<2000xf32>
    %reduce_sum3A_2 = vector.multi_reduction <add>, %get3A_1, %reduce_sum3A [1] : vector<2000x2xf32> to vector<2000xf32>
    %gt3A = arith.constant 0.000000e+00 : f32
    %gt3A_3 = vector.broadcast %gt3A : f32 to vector<2000xf32>
    %gt3A_4 = arith.cmpf ogt, %reduce_sum3A_2, %gt3A_3 : vector<2000xf32>
    %max3A = arith.constant 9.99999996E-13 : f32
    %max3A_5 = vector.broadcast %max3A : f32 to vector<2000xf32>
    %max3A_6 = arith.maximumf %reduce_sum3A_2, %max3A_5 : vector<2000xf32>
    %rsqrt3A = math.rsqrt %max3A_6 : vector<2000xf32>
    %jit3A = arith.constant 0.000000e+00 : f32
    %broadcast_in_dim3A = vector.broadcast %jit3A : f32 to vector<2000xf32>
    %select_n3A = arith.select %gt3A_4, %rsqrt3A, %broadcast_in_dim3A : vector<2000xi1>, vector<2000xf32>
    %get3A_7 = arith.constant 0 : index
    %get3A_8 = arith.constant 0 : index
    %get3A_9 = arith.constant 0 : index
    %get3A_10 = vector.load %arg3[%get3A_7, %get3A_8, %get3A_9] : memref<2x2000x128xf32, #tpu.memory_space<vmem>>, vector<1x2000x128xf32>
    %get3A_11 = vector.shape_cast %get3A_10 : vector<1x2000x128xf32> to vector<2000x128xf32>
    %get3A_12 = arith.constant 1 : index
    %get3A_13 = arith.constant 0 : index
    %get3A_14 = arith.constant 0 : index
    %get3A_15 = vector.load %arg3[%get3A_12, %get3A_13, %get3A_14] : memref<2x2000x128xf32, #tpu.memory_space<vmem>>, vector<1x2000x128xf32>
    %get3A_16 = vector.shape_cast %get3A_15 : vector<1x2000x128xf32> to vector<2000x128xf32>
    %add3A = arith.addf %get3A_11, %get3A_16 : vector<2000x128xf32>
    %get3A_17 = arith.constant 0 : index
    %get3A_18 = arith.constant 0 : index
    %get3A_19 = vector.load %arg4[%get3A_17, %get3A_18] : memref<128x128xf32, #tpu.memory_space<vmem>>, vector<128x128xf32>
    %dot_general3A = arith.constant dense<0.000000e+00> : vector<2000x128xf32>
    %dot_general3A_20 = tpu.matmul %add3A, %get3A_19, %dot_general3A {dimension_numbers = #tpu.dot_dimension_numbers<[1], [0], [0], [1], [0, 0, 1, 1], [], []>, transpose_lhs_hint = false} : vector<2000x128xf32>, vector<128x128xf32>, vector<2000x128xf32> -> vector<2000x128xf32>
    %get3A_21 = arith.constant 0 : index
    %get3A_22 = arith.constant 0 : index
    %get3A_23 = vector.load %arg2[%get3A_21, %get3A_22] : memref<2000x128xf32, #tpu.memory_space<vmem>>, vector<2000x128xf32>
    %broadcast_in_dim3A_24 = vector.shape_cast %select_n3A : vector<2000xf32> to vector<2000x1xf32>
    %mul3A = vector.broadcast %broadcast_in_dim3A_24 : vector<2000x1xf32> to vector<2000x128xf32>
    %mul3A_25 = arith.mulf %mul3A, %dot_general3A_20 : vector<2000x128xf32>
    %sub3A = arith.subf %get3A_23, %mul3A_25 : vector<2000x128xf32>
    %get3A_26 = arith.constant 0 : index
    %get3A_27 = arith.constant 0 : index
    %get3A_28 = vector.load %arg5[%get3A_26, %get3A_27] : memref<1x128xf32, #tpu.memory_space<vmem>>, vector<1x128xf32>
    %add3A_29 = vector.broadcast %get3A_28 : vector<1x128xf32> to vector<2000x128xf32>
    %add3A_30 = arith.addf %sub3A, %add3A_29 : vector<2000x128xf32>
    %max3A_31 = arith.constant 0.000000e+00 : f32
    %max3A_32 = vector.broadcast %max3A_31 : f32 to vector<2000x128xf32>
    %max3A_33 = arith.maximumf %add3A_30, %max3A_32 : vector<2000x128xf32>
    %swap3A = arith.constant 0 : index
    %swap3A_34 = arith.constant 0 : index
    %swap3A_35 = vector.load %arg6[%swap3A, %swap3A_34] : memref<2000x128xf32, #tpu.memory_space<vmem>>, vector<2000x128xf32>
    tpu.vector_store %arg6[%swap3A, %swap3A_34], %max3A_33 {strides = array<i32>} : memref<2000x128xf32, #tpu.memory_space<vmem>>, vector<2000x128xf32>,
    return
  }
  func.func @transform_0(%arg0: i32) -> (i32, i32) {
    %c0_i32 = arith.constant 0 : i32
    %c0_i32_0 = arith.constant 0 : i32
    return %arg0, %c0_i32 : i32, i32
  }
  func.func @transform_1(%arg0: i32) -> (i32, i32) {
    %c0_i32 = arith.constant 0 : i32
    %c0_i32_0 = arith.constant 0 : i32
    return %arg0, %c0_i32 : i32, i32
  }
  func.func @transform_2(%arg0: i32) -> (i32, i32, i32) {
    %c0_i32 = arith.constant 0 : i32
    %c0_i32_0 = arith.constant 0 : i32
    %c0_i32_1 = arith.constant 0 : i32
    return %c0_i32, %arg0, %c0_i32_0 : i32, i32, i32
  }
  func.func @transform_3(%arg0: i32) -> (i32, i32) {
    %c0_i32 = arith.constant 0 : i32
    %c0_i32_0 = arith.constant 0 : i32
    %c0_i32_1 = arith.constant 0 : i32
    return %c0_i32, %c0_i32_0 : i32, i32
  }
  func.func @transform_4(%arg0: i32) -> (i32, i32) {
    %c0_i32 = arith.constant 0 : i32
    %c0_i32_0 = arith.constant 0 : i32
    %c0_i32_1 = arith.constant 0 : i32
    return %c0_i32, %c0_i32_0 : i32, i32
  }
  func.func @transform_5(%arg0: i32) -> (i32, i32) {
    %c0_i32 = arith.constant 0 : i32
    %c0_i32_0 = arith.constant 0 : i32
    return %arg0, %c0_i32 : i32, i32
  }
}

</mosaic_0001>

<sc_bundles>
// kernel: kernel.11.cloned.1.call-start
scs
__scs_entry_jumppad:
0x0: {  	(pc) =	sbr.rel $0x88, $3  }
0x1: {  	(tag) =	ssettag $0x0;
	lr =	simm.s32 $0x1  }
0x2: {  	[smem:$0x3F99] =	sst lr;
	_ =	strace $0xD0000000  }
0x3: {  	_ = 	snop  }
0x4: {  	_ = 	snop  }
0x5: {  	_ = 	snop  }
0x6: {  	_ = 	snop  }
0x7: {  	_ = 	snop  }
__scs_overlays_trampoline_lowered:
0x8: {  	[smem:$0x3FA8] =	sst s0  }
0x9: {  	[smem:$0x3FA9] =	sst s1  }
0xa: {  	[smem:$0x3FAA] =	sst s2  }
0xb: {  	[smem:$0x3FAB] =	sst s3  }
0xc: {  	[smem:$0x3FAC] =	sst s4  }
0xd: {  	[smem:$0x3FAD] =	sst s5  }
0xe: {  	[smem:$0x3FAE] =	sst s6  }
0xf: {  	[smem:$0x3FAF] =	sst s7  }
0x10: {  	[smem:$0x3FB0] =	sst s8  }
0x11: {  	[smem:$0x3FB1] =	sst s9;
	s0 =	simm.s32 @!p0 $0x0  }
0x12: {  	s1 =	sld [smem:$0x3F97];
	s0 =	simm.s32 @p0 $0x1  }
0x13: {  	[smem:$0x3FB2] =	sst s0;
	s0 =	simm.s32 @!p1 $0x0  }
0x14: {  	s2 =	sld [smem:$0x3F96];
	s0 =	simm.s32 @p1 $0x1  }
0x15: {  	[smem:$0x3FB3] =	sst s0;
	s0 =	simm.s32 @!p2 $0x0  }
0x16: {  	s3 =	sld [smem:$0x3FDB];
	s0 =	simm.s32 @p2 $0x1  }
0x17: {  	s4 =	simm.s32 $0x1BF5;
	[smem:$0x3FB5] =	sst s0  }
0x18: {  	s0 =	sld [smem:$0x3F98];
	_ =	swait.ge [sflag:s4], $0x0  }
0x19: {  	s7 =	sld [smem:$0x3F99]  }
0x1a: {  	s8 =	sadd.s32 $0xFFFFE003, lr  }
0x1b: {  	s9 =	sadd.s32 $0xFFFFFEF7, lr;
	s5 =	simm.s32 $0xFFFFFFFF;
	p2 =	slt.u32 s8, $0xFFFFF086  }
0x1c: {  	p1 =	slt.u32 s9, $0xF7A;
	s5 =	simm.s32 @!p2 $0x0  }
0x1d: {  	s5 =	simm.s32 @p1 $0x1;
	p0 =	seq.s32 s7, s2  }
0x1e: {  	s7 =	smul.u32 @!p0 $0xF7A, s2;
	p2 =	seq.s32 @!p0 s5, $0x0  }
0x1f: {  	s9 =	smul.u32 $0xF7A, s1;
	s8 =	simm.s32 @!p0 $0x1BF5;
	p2 =	por !p2, p0  }
0x20: {  	[sflag:s8] =	ssyncset.s32 @!p0 $0xFFFFF086;
	s6 =	sadd.s32 @!p0 s3, s7;
	s7 =	simm.s32 @!p0 $0x108  }
0x21: {  	s3 =	sadd.s32 s3, s9;
	s6 =	sadd.s32 @!p0 $0x88, s6;
	s7 =	simm.s32 @p2 $0x1082  }
0x22: {  	[simem:s7], [sflag:s8] =	dma.local @!p0 [hbm:s6], $0xF7A  }
0x23: {  	s9 =	sor.u32 $0xD0000000, s2;
	s6 =	simm.s32 $0x108;
	_ =	swait.ge @!p0 [sflag:s8], $0x0  }
0x24: {  	s3 =	sadd.s32 $0x88, s3;
	s6 =	simm.s32 @!p1 $0x1082;
	[sflag:s4] =	ssyncset.s32 $0xFFFFF086  }
0x25: {  	[simem:s6], [sflag:s4] =	dma.local [hbm:s3], $0xF7A  }
0x26: {  	[smem:$0x3F99] =	sst s1;
	(tag) =	ssettag s2;
	_ =	strace s9  }
0x27: {  	s1 =	sld [smem:$0x3FA9]  }
0x28: {  	s2 =	sld [smem:$0x3FAA]  }
0x29: {  	s4 =	sld [smem:$0x3FAC]  }
0x2a: {  	p0 =	seq.s32 s5, $0x0;
	s5 =	sld [smem:$0x3FAD]  }
0x2b: {  	s6 =	sld [smem:$0x3FAE]  }
0x2c: {  	s7 =	sld [smem:$0x3FAF]  }
0x2d: {  	s3 =	simm.s32 $0x108;
	s8 =	sld [smem:$0x3FB0]  }
0x2e: {  	s3 =	simm.s32 @!p0 $0x1082;
	s9 =	sld [smem:$0x3FB1]  }
0x2f: {  	lr =	sadd.s32 s0, s3;
	s0 =	sld [smem:$0x3FA8]  }
0x30: {  	s3 =	sld [smem:$0x3FAB]  }
0x31: {  	[smem:$0x3FB4] =	sst s10  }
0x32: {  	s10 =	sld [smem:$0x3FB2];
	_ =	sdelay $0x3  }
0x33: {  	p0 =	seq.s32 s10, $0x1;
	s10 =	sld [smem:$0x3FB4];
	_ =	sdelay $0x3  }
0x34: {  	[smem:$0x3FB4] =	sst s10  }
0x35: {  	s10 =	sld [smem:$0x3FB3];
	_ =	sdelay $0x3  }
0x36: {  	p1 =	seq.s32 s10, $0x1;
	s10 =	sld [smem:$0x3FB4];
	_ =	sdelay $0x3  }
0x37: {  	[smem:$0x3FB4] =	sst s10  }
0x38: {  	s10 =	sld [smem:$0x3FB5]  }
0x39: {  	_ = 	snop;
	(pc) =	sbr.ind lr, $3  }
0x3a: {  	_ = 	snop  }
0x3b: {  	_ = 	snop  }
0x3c: {  	p2 =	seq.s32 s10, $0x1;
	s10 =	sld [smem:$0x3FB4]  }
0x3d: {  	_ =	shalt  }
0x3e: {  	_ =	shalt  }
0x3f: {  	_ =	shalt  }
0x40: {  	_ =	shalt  }
0x41: {  	_ =	shalt  }
0x42: {  	_ =	shalt  }
0x43: {  	_ =	shalt  }
0x44: {  	_ =	shalt  }
0x45: {  	_ =	shalt  }
0x46: {  	_ =	shalt  }
0x47: {  	_ =	shalt  }
0x48: {  	_ =	shalt  }
0x49: {  	_ =	shalt  }
0x4a: {  	_ =	shalt  }
0x4b: {  	_ =	shalt  }
0x4c: {  	_ =	shalt  }
0x4d: {  	_ =	shalt  }
0x4e: {  	_ =	shalt  }
0x4f: {  	_ =	shalt  }
0x50: {  	_ =	shalt  }
0x51: {  	_ =	shalt  }
0x52: {  	_ =	shalt  }
0x53: {  	_ =	shalt  }
0x54: {  	_ =	shalt  }
0x55: {  	_ =	shalt  }
0x56: {  	_ =	shalt  }
0x57: {  	_ =	shalt  }
0x58: {  	_ =	shalt  }
0x59: {  	_ =	shalt  }
0x5a: {  	_ =	shalt  }
0x5b: {  	_ =	shalt  }
0x5c: {  	_ =	shalt  }
0x5d: {  	_ =	shalt  }
0x5e: {  	_ =	shalt  }
0x5f: {  	_ =	shalt  }
0x60: {  	_ =	shalt  }
0x61: {  	_ =	shalt  }
0x62: {  	_ =	shalt  }
0x63: {  	_ =	shalt  }
0x64: {  	_ =	shalt  }
0x65: {  	_ =	shalt  }
0x66: {  	_ =	shalt  }
0x67: {  	_ =	shalt  }
0x68: {  	_ =	shalt  }
0x69: {  	_ =	shalt  }
0x6a: {  	_ =	shalt  }
0x6b: {  	_ =	shalt  }
0x6c: {  	_ =	shalt  }
0x6d: {  	_ =	shalt  }
0x6e: {  	_ =	shalt  }
0x6f: {  	_ =	shalt  }
0x70: {  	_ =	shalt  }
0x71: {  	_ =	shalt  }
0x72: {  	_ =	shalt  }
0x73: {  	_ =	shalt  }
0x74: {  	_ =	shalt  }
0x75: {  	_ =	shalt  }
0x76: {  	_ =	shalt  }
0x77: {  	_ =	shalt  }
0x78: {  	_ =	shalt  }
0x79: {  	_ =	shalt  }
0x7a: {  	_ =	shalt  }
0x7b: {  	_ =	shalt  }
0x7c: {  	_ =	shalt  }
0x7d: {  	_ =	shalt  }
0x7e: {  	_ =	shalt  }
0x7f: {  	_ =	shalt  }
0x80: {  	_ =	shalt  }
0x81: {  	_ =	shalt  }
0x82: {  	_ =	shalt  }
0x83: {  	_ =	shalt  }
0x84: {  	_ =	shalt  }
0x85: {  	_ =	shalt  }
0x86: {  	_ =	shalt  }
0x87: {  	_ =	shalt  }
.Lfunc_end0:
.L_simem_size_0:
called_computation.1_lowered:
.L_overlay_start_0:
0x88: {  	s2 =	sld [smem:$0x3FD9]  }
0x89: {  	s3 =	sld [smem:$0x3FFE];
	_ =	sdelay $0x1  }
0x8a: {  	s1 =	srdreg.scid  }
0x8b: {  	s0 =	sand.u32 $0x1, s1  }
0x8c: {  	s17 =	sshll.u32 s0, $0xA;
	s2 =	sadd.s32 s3, s2  }
0x8d: {  	s2 =	sadd.s32 s2, s17  }
0x8e: {  	[smem:$0x3FC0] =	sst s2  }
0x8f: {  	_ = 	snop  }
0x90: {  	s2 =	sld [smem:$0x3FD0];
	(tm) =	ssettm $0x1  }
0x91: {  	s18 =	sld [smem:$0x3FFB];
	_ =	sdelay $0x3  }
0x92: {  	_ =	strace s18  }
0x93: {  	s3 =	sld [smem:$0x3FFC];
	_ =	sdelay $0x3  }
0x94: {  	_ =	strace s3  }
0x95: {  	s3 =	sld [smem:$0x3FFD];
	_ =	sdelay $0x3  }
0x96: {  	_ =	strace s3  }
0x97: {  	_ =	strace $0x8FFFFFFF  }
0x98: {  	s19 =	sld [smem:$0x3FDB];
	_ =	sdelay $0x1  }
0x99: {  	s4 =	simm.s32 $_scs_section_size  }
0x9a: {  	s5 =	simm.s32 $_size__tile_overlayer_lowered;
	s6 =	simm.s32 $_tile_overlayer_lowered  }
0x9b: {  	s22 =	simm.s32 $0x1BFF;
	s21 =	sshll.u32 s6, $0x1;
	s3 =	sadd.s32 s4, s19  }
0x9c: {  	s7 =	simm.s32 $0x0;
	s20 =	sshll.u32 s5, $0x1;
	s5 =	sadd.s32 s21, s3  }
0x9d: {  	[timem:s7], [sflag:s22] =	dma.local [hbm:s5], s20  }
0x9e: {  	_ =	swait.ge [sflag:s22], s20  }
0x9f: {  	s4 =	ssub.s32 $0x0, s20;
	[sflag:s22] =	ssyncset.done $0x0  }
0xa0: {  	[sflag:s22] =	ssyncadd.s32 s4;
	_ =	sdelay $0x1  }
0xa1: {  	s23 =	simm.s32 $0x1B8B  }
0xa2: {  	_ =	swait.ge [sflag:s23], $0x1  }
0xa3: {  	[sflag:s23] =	ssyncset.done $0x0  }
0xa4: {  	s25 =	simm.s32 $0x1B8E;
	s24 =	sld [smem:$0x3FFE];
	[sflag:s23] =	ssyncadd.s32 $0xFFFFFFFF  }
0xa5: {  	s26 =	simm.s32 $execute0_lowered;
	[smem:$0x3FD2] =	sst s25  }
0xa6: {  	s5 =	sshll.u32 s26, $0x1;
	_ =	strace $0x80000049;
	[dreg:$0x1] =	wrdreg $0xFFFFFFFF  }
0xa7: {  	s28 =	simm.s32 $_size_execute0_lowered;
	s3 =	sadd.s32 s3, s5;
	[dreg:$0x0] =	wrdreg $0x0  }
0xa8: {  	s5 =	sshll.u32 s28, $0x1;
	[dreg:$0x2] =	wrdreg s3  }
0xa9: {  	[dreg:$0x3] =	wrdreg s5  }
0xaa: {  	[dreg:$0x4] =	wrdreg $0xC0  }
0xab: {  	_ =	task [dreg:s7], $0x5FFFF  }
0xac: {  	[dreg:$0x1] =	wrdreg $0xFFFFFFFF  }
0xad: {  	[dreg:$0x0] =	wrdreg $0x60  }
0xae: {  	[dreg:$0x2] =	wrdreg s24  }
0xaf: {  	[dreg:$0x3] =	wrdreg s2  }
0xb0: {  	[dreg:$0x4] =	wrdreg $0x69000  }
0xb1: {  	[dreg:$0x5] =	wrdreg $0x9  }
0xb2: {  	_ =	task.clear_ibuf [dreg:s7], $0x6FFFF;
	_ =	strace $0x90000049  }
0xb3: {  	s29 =	simm.s32 $0x9;
	_ =	strace $0x8000004B  }
0xb4: {  	_ =	swait.ge [sflag:s29], $0x1  }
0xb5: {  	[sflag:s29] =	ssyncadd.s32 $0xFFFFFFFF  }
0xb6: {  	_ =	strace $0x9000004B  }
0xb7: {  	_ =	sfence  }
0xb8: {  	s30 =	sld [smem:$0x0];
	_ =	sdelay $0x2  }
0xb9: {  	s31 =	sshll.u32 s1, $0xD;
	s1 =	sshrl.u32 s1, $0x2  }
0xba: {  	s3 =	sand.u32 $0x4000, s31;
	s1 =	sadd.s32 s1, s30  }
0xbb: {  	s0 =	sor.u32 s3, s0;
	s1 =	sshll.u32 s1, $0x11  }
0xbc: {  	s0 =	sor.u32 s1, s0  }
0xbd: {  	s0 =	sadd.s32 $0x8F2B, s0  }
0xbe: {  	[sflag:s0] =	ssyncadd.remote.s32 $0x1  }
0xbf: {  	_ =	sfence.sel $0xFFFF  }
0xc0: {  	[dreg:$0x0] =	wrdreg $0xFFFFFFFF;
	(pc) =	sbr.abs _section_cstart, $3  }
0xc1: {  	[dreg:$0x1] =	wrdreg $0xFFFFFFFF  }
0xc2: {  	_ =	task.clear_ibuf [dreg:s7], $0x2FFFF;
	_ =	strace $0x9FFFFFFF  }
0xc3: {  	(tm) =	ssettm $0x7FFFFFFF  }
tec
execute0_lowered:
.L_overlay_start_1:
0x0: {  	(tag) =	ssettag $0x1  }
0x1: {  	s5 =	rddreg [dreg:$0x0]  }
0x2: {  	s2 =	rddreg [dreg:$0x1];
	s0 =	srdreg.scid  }
0x3: {  	s3 =	rddreg [dreg:$0x2];
	s1 =	stileid.u32  }
0x4: {  	s4 =	simm.s32 $0x0;
	s16 =	simm.s32 $0x2900;
	s17 =	simm.s32 $0x1  }
0x5: {  	s18 =	simm.s32 $0x80;
	s19 =	simm.s32 $0x50;
	s20 =	simm.s32 $0x100  }
0x6: {  	s6 =	sand.u32 $0x1, s0;
	s0 =	rddreg [dreg:$0x3];
	s8 =	smul.u32 $0x2710, s1  }
0x7: {  	s22 =	simm.s32 $0x0;
	[smem:$0x7FF] =	sst s4;
	s9 =	smul.u32 $0x13800, s1  }
0x8: {  	s26 =	sadd.s32 $0x15E00, s5;
	s30 =	smul.u32 $0x4E000, s1;
	s31 =	sshll.u32 s1, $0xE  }
0x9: {  	s14 =	sor.u32 $0x40, s1;
	p2 =	sne.s32 s1, $0xF;
	s7 =	smul.u32 $0x27100, s6  }
0xa: {  	_ =	strace $0x8000004A;
	s25 =	smul.u32 $0x138800, s6;
	s6 =	ssub.s32 $0x2, s6  }
0xb: {  	s13 =	sshll.u32 s14, $0xE;
	p0 =	sgt.u32 s14, $0x4D;
	s28 =	sshrl.u32 s6, $0x1  }
0xc: {  	s13 =	sadd.s32 s13, s3;
	p1 =	sne.s32 @p0 s1, $0xF;
	s7 =	sadd.s32 s8, s7  }
0xd: {  	s10 =	ssub.s32 s6, s28;
	s29 =	sadd.s32 s9, s25;
	s8 =	sshrl.u32 s25, $0x3  }
0xe: {  	s9 =	sshrl.u32 s30, $0x2;
	p1 =	por p1, !p0;
	s7 =	sshrl.u32 s7, $0x3  }
0xf: {  	s6 =	sshrl.u32 s29, $0x3;
	s21 =	sadd.s32 s9, s3;
	s9 =	sadd.s32 s31, s3  }
0x10: {  	s15 =	sadd.s32 s7, s5;
	s5 =	sadd.s32 $0x138000, s3;
	s6 =	sadd.s32 s26, s6  }
0x11: {  	s7 =	sadd.s32 s26, s8;
	s8 =	smax.u32 s10, $0x1;
	s10 =	sadd.s32 $0x40000, s9  }
0x12: {  	s11 =	sadd.s32 $0x80000, s9;
	s12 =	sadd.s32 $0xC0000, s9;
	s21 =	sshrl.u32 s21, $0x3  }
0x13: {  	v0 =	vimm.f32 $0.0e+00;
	s7 =	sadd.s32 $0x27000, s7;
	s14 =	sadd.s32 $0x2200, s15;
	s15 =	sadd.s32 $0xC000, s15  }
.LBB2_1:
0x14: {  	s23 =	simm.s32 $0x0;
	s24 =	simm.s32 $0x200  }
.LBB2_2:
0x15: {  	p3 =	sne.s32 s24, $0xFE00;
	[tilespmem:s23+$0x2970] =	vst v0  }
0x16: {  	[tilespmem:s23+$0x2900] =	vst v0  }
0x17: {  	[tilespmem:s23+$0x2910] =	vst v0  }
.Ltmp0:
0x18: {  	[tilespmem:s23+$0x2920] =	vst v0;
	(pc) =	sbr.rel @p3 .LBB2_2-.Ltmp0, $4  }
0x19: {  	[tilespmem:s23+$0x2930] =	vst v0  }
0x1a: {  	[tilespmem:s23+$0x2940] =	vst v0  }
0x1b: {  	[tilespmem:s23+$0x2950] =	vst v0  }
0x1c: {  	[tilespmem:s23+$0x2960] =	vst v0;
	s23 =	sshra.s32 s24, $0x2;
	s24 =	sadd.s32 $0x200, s24  }
0x1d: {  	[tilespmem:s23+$0x2970] =	vst v0  }
0x1e: {  	[tilespmem:s23+$0x2900] =	vst v0  }
0x1f: {  	[tilespmem:s23+$0x2910] =	vst v0  }
0x20: {  	[tilespmem:s23+$0x2920] =	vst v0  }
0x21: {  	[tilespmem:s23+$0x2930] =	vst v0  }
0x22: {  	[tilespmem:s23+$0x2940] =	vst v0  }
0x23: {  	[tilespmem:s23+$0x2950] =	vst v0  }
0x24: {  	[tilespmem:s23+$0x2960] =	vst v0  }
0x25: {  	[spmem:s9] =	stream.linear.scatter [tilespmem:s16], [sflag:$0x1], $0x4000, $0x38;
	[tilespmem:$0x1A180] =	vst v63  }
0x26: {  	_ =	swait.ge [sflag:s17], $0x4000  }
0x27: {  	[sflag:s17] =	ssyncset.done $0x0  }
0x28: {  	[sflag:s17] =	ssyncadd.s32 $0xFFFFC000  }
0x29: {  	[spmem:s10] =	stream.linear.scatter [tilespmem:s16], [sflag:$0x1], $0x4000, $0x38;
	[tilespmem:$0x1A180] =	vst v63  }
0x2a: {  	_ =	swait.ge [sflag:s17], $0x4000  }
0x2b: {  	[sflag:s17] =	ssyncset.done $0x0  }
0x2c: {  	[sflag:s17] =	ssyncadd.s32 $0xFFFFC000  }
0x2d: {  	[spmem:s11] =	stream.linear.scatter [tilespmem:s16], [sflag:$0x1], $0x4000, $0x38;
	[tilespmem:$0x1A180] =	vst v63  }
0x2e: {  	_ =	swait.ge [sflag:s17], $0x4000  }
0x2f: {  	[sflag:s17] =	ssyncset.done $0x0  }
0x30: {  	[sflag:s17] =	ssyncadd.s32 $0xFFFFC000  }
0x31: {  	[spmem:s12] =	stream.linear.scatter [tilespmem:s16], [sflag:$0x1], $0x4000, $0x38;
	[tilespmem:$0x1A180] =	vst v63  }
0x32: {  	_ =	swait.ge [sflag:s17], $0x4000  }
0x33: {  	[sflag:s17] =	ssyncset.done $0x0  }
0x34: {  	s23 =	simm.s32 @!p1 $0x2900;
	[sflag:s17] =	ssyncadd.s32 $0xFFFFC000  }
0x35: {  	[spmem:s5] =	stream.linear.scatter @!p1 [tilespmem:s23], [sflag:$0x1], $0x800, $0x38;
	[tilespmem:$0x1A180] =	vst v63  }
0x36: {  	s23 =	simm.s32 @!p1 $0x1  }
0x37: {  	_ =	swait.ge @!p1 [sflag:s23], $0x800  }
0x38: {  	[sflag:s23] =	ssyncset.done @!p1 $0x0  }
0x39: {  	[sflag:s23] =	ssyncadd.s32 @!p1 $0xFFFFF800;
	s23 =	simm.s32 @!p0 $0x2900  }
0x3a: {  	[spmem:s13] =	stream.linear.scatter @!p0 [tilespmem:s23], [sflag:$0x1], $0x4000, $0x38;
	[tilespmem:$0x1A180] =	vst v63  }
0x3b: {  	s23 =	simm.s32 @!p0 $0x1  }
0x3c: {  	_ =	swait.ge @!p0 [sflag:s23], $0x4000  }
0x3d: {  	[sflag:s23] =	ssyncset.done @!p0 $0x0  }
0x3e: {  	[sflag:s23] =	ssyncadd.s32 @!p0 $0xFFFFC000  }
0x3f: {  	s30 =	sadd.s32 $0x0, s15;
	[bflag:$0x0] =	sbarrier.arrive $0xFFFF  }
0x40: {  	[tilespmem:s4], [sflag:$0x1] =	stream.linear.gather [hbm4b:s30+s4], $0x50, $0x38;
	[tilespmem:$0x1A180] =	vst v63  }
0x41: {  	_ =	swait.ge [sflag:s17], $0x50  }
0x42: {  	[sflag:s17] =	ssyncset.done $0x0  }
0x43: {  	s31 =	sadd.s32 $0x0, s14;
	[sflag:s17] =	ssyncadd.s32 $0xFFFFFFB0  }
0x44: {  	[tilespmem:s18], [sflag:$0x1] =	stream.linear.gather [hbm4b:s31+s4], $0x50, $0x38;
	[tilespmem:$0x1A180] =	vst v63  }
0x45: {  	_ =	swait.ge [sflag:s17], $0x50  }
0x46: {  	[sflag:s17] =	ssyncset.done $0x0  }
0x47: {  	[sflag:s17] =	ssyncadd.s32 $0xFFFFFFB0  }
0x48: {  	[tilespmem:s20], [sflag:$0x1] =	stream.indirect.gather [hbm4b:s2+s19], $0x80, s4, s19, $0xb8;
	[tilespmem:$0x1A180] =	vst v63  }
0x49: {  	_ =	swait.ge [sflag:s17], $0x2800  }
0x4a: {  	[sflag:s17] =	ssyncset.done $0x0  }
0x4b: {  	[sflag:s17] =	ssyncadd.s32 $0xFFFFD800  }
0x4c: {  	[spmem:s3] =	stream.indirect.scatter.add.f32 [tilespmem:s20], [sflag:$0x1], $0x80, s18, s19, $0xb8;
	[tilespmem:$0x1A180] =	vst v63  }
0x4d: {  	_ =	swait.ge [sflag:s17], $0x2800  }
0x4e: {  	s24 =	simm.s32 $0x14;
	s23 =	simm.s32 $0xA;
	[sflag:s17] =	ssyncset.done $0x0  }
.LBB2_4:
0x4f: {  	s25 =	sadd.s32 s23, s15  }
0x50: {  	[sflag:s17] =	ssyncadd.s32 $0xFFFFD800;
	s26 =	smov.u32 s24;
	s28 =	sadd.s32 $0xA, s24  }
0x51: {  	[tilespmem:s4], [sflag:$0x1] =	stream.linear.gather [hbm4b:s25+s4], $0x50, $0x38;
	[tilespmem:$0x1A180] =	vst v63  }
0x52: {  	p3 =	sne.s32 s24, $0x4D8;
	_ =	swait.ge [sflag:s17], $0x50  }
0x53: {  	[sflag:s17] =	ssyncset.done $0x0  }
0x54: {  	s24 =	sadd.s32 s23, s14;
	s23 =	smov.u32 s26;
	[sflag:s17] =	ssyncadd.s32 $0xFFFFFFB0  }
0x55: {  	[tilespmem:s18], [sflag:$0x1] =	stream.linear.gather [hbm4b:s24+s4], $0x50, $0x38;
	[tilespmem:$0x1A180] =	vst v63  }
0x56: {  	_ =	swait.ge [sflag:s17], $0x50  }
0x57: {  	[sflag:s17] =	ssyncset.done $0x0  }
0x58: {  	[sflag:s17] =	ssyncadd.s32 $0xFFFFFFB0  }
0x59: {  	[tilespmem:s20], [sflag:$0x1] =	stream.indirect.gather [hbm4b:s2+s19], $0x80, s4, s19, $0xb8;
	[tilespmem:$0x1A180] =	vst v63  }
0x5a: {  	_ =	swait.ge [sflag:s17], $0x2800  }
.Ltmp1:
0x5b: {  	[sflag:s17] =	ssyncset.done $0x0;
	(pc) =	sbr.rel @p3 .LBB2_4-.Ltmp1, $4  }
0x5c: {  	[sflag:s17] =	ssyncadd.s32 $0xFFFFD800  }
0x5d: {  	[spmem:s3] =	stream.indirect.scatter.add.f32 [tilespmem:s20], [sflag:$0x1], $0x80, s18, s19, $0xb8;
	[tilespmem:$0x1A180] =	vst v63  }
0x5e: {  	_ =	swait.ge [sflag:s17], $0x2800  }
0x5f: {  	s24 =	smov.u32 s28;
	[sflag:s17] =	ssyncset.done $0x0  }
0x60: {  	s24 =	sadd.s32 s23, s15;
	[sflag:s17] =	ssyncadd.s32 $0xFFFFD800  }
0x61: {  	[tilespmem:s4], [sflag:$0x1] =	stream.linear.gather [hbm4b:s24+s4], $0x50, $0x38;
	[tilespmem:$0x1A180] =	vst v63  }
0x62: {  	_ =	swait.ge [sflag:s17], $0x50  }
0x63: {  	[sflag:s17] =	ssyncset.done $0x0  }
0x64: {  	s30 =	sadd.s32 s23, s14;
	[sflag:s17] =	ssyncadd.s32 $0xFFFFFFB0  }
0x65: {  	[tilespmem:s18], [sflag:$0x1] =	stream.linear.gather [hbm4b:s30+s4], $0x50, $0x38;
	[tilespmem:$0x1A180] =	vst v63  }
0x66: {  	_ =	swait.ge [sflag:s17], $0x50  }
0x67: {  	[sflag:s17] =	ssyncset.done $0x0  }
0x68: {  	[sflag:s17] =	ssyncadd.s32 $0xFFFFFFB0  }
0x69: {  	[tilespmem:s20], [sflag:$0x1] =	stream.indirect.gather [hbm4b:s2+s19], $0x80, s4, s19, $0xb8;
	[tilespmem:$0x1A180] =	vst v63  }
0x6a: {  	_ =	swait.ge [sflag:s17], $0x2800  }
0x6b: {  	[sflag:s17] =	ssyncset.done $0x0  }
0x6c: {  	[sflag:s17] =	ssyncadd.s32 $0xFFFFD800  }
0x6d: {  	[spmem:s3] =	stream.indirect.scatter.add.f32 [tilespmem:s20], [sflag:$0x1], $0x80, s18, s19, $0xb8;
	[tilespmem:$0x1A180] =	vst v63  }
0x6e: {  	_ =	swait.ge [sflag:s17], $0x2800  }
0x6f: {  	[sflag:s17] =	ssyncset.done $0x0  }
0x70: {  	s31 =	sshll.u32 s1, $0x6;
	[sflag:s17] =	ssyncadd.s32 $0xFFFFD800  }
0x71: {  	s23 =	sor.u32 $0x1C01, s31;
	[bflag:$0x0] =	sbarrier.arrive $0xFFFF  }
0x72: {  	[hbm:s6], [sflag:s23] =	dma.local [spmem:s21], $0x2700  }
0x73: {  	_ =	swait.ge [sflag:s17], $0x2700  }
0x74: {  	s22 =	sadd.s32 $0x1, s22;
	[sflag:s17] =	ssyncset.done $0x0  }
0x75: {  	s24 =	sshrl.u32 @!p2 s5, $0x3;
	p3 =	sne.s32 s22, s8;
	[sflag:s17] =	ssyncadd.s32 $0xFFFFD900  }
0x76: {  	[hbm:s7], [sflag:s23] =	dma.local @!p2 [spmem:s24], $0x100  }
.Ltmp2:
0x77: {  	_ = 	snop;
	(pc) =	sbr.rel @p3 .LBB2_1-.Ltmp2, $4  }
0x78: {  	s23 =	simm.s32 @!p2 $0x1  }
0x79: {  	_ =	swait.ge @!p2 [sflag:s23], $0x100  }
0x7a: {  	[sflag:s23] =	ssyncset.done @!p2 $0x0  }
0x7b: {  	[sflag:s23] =	ssyncadd.s32 @!p2 $0xFFFFFF00  }
0x7c: {  	_ =	sfence.sel $0x180000  }
0x7d: {  	[bflag:$0x0] =	sbarrier.arrive $0xFFFF  }
0x7e: {  	p0 =	sne.s32 s1, $0x0;
	_ =	strace $0x9000004A  }
0x7f: {  	s0 =	sadd.s32 @!p0 $0x100000, s0;
	[bflag:$0x2] =	sbarrier.arrive $0xFFFF  }
0x80: {  	[sflag:s0] =	ssyncadd.tile.s32 @!p0 $0x1;
	_ =	shalt  }
.Lfunc_end2:
_tile_overlayer_lowered:
.L_overlay_start_2:
0x81: {  	(tag) =	ssettag $0x2  }
0x82: {  	s0 =	rddreg [dreg:$0x0];
	s2 =	stileid.u32  }
0x83: {  	s1 =	rddreg [dreg:$0x1];
	p0 =	sne.s32 s2, $0x0  }
0x84: {  	s3 =	rddreg [dreg:$0x2];
	[bflag:$0x3] =	sbarrier.arrive $0xFFFF;
	s2 =	simm.s32 @!p0 $0x1C01  }
0x85: {  	[timem:s3], [sflag:s2] =	dma.local @!p0 [hbm:s0], s1  }
0x86: {  	s0 =	simm.s32 @!p0 $0x1  }
0x87: {  	_ =	swait.ge @!p0 [sflag:s0], s1  }
0x88: {  	s1 =	ssub.s32 @!p0 $0x0, s1;
	[sflag:s0] =	ssyncset.done @!p0 $0x0  }
0x89: {  	[sflag:s0] =	ssyncadd.s32 @!p0 s1  }
0x8a: {  	[bflag:$0x3] =	sbarrier.arrive $0xFFFF  }
0x8b: {  	_ =	shalt  }

// kernel: kernel.14.cloned.1.call-start
scs
__scs_entry_jumppad:
0x0: {  	(pc) =	sbr.rel $0x88, $3  }
0x1: {  	(tag) =	ssettag $0x0;
	lr =	simm.s32 $0x1  }
0x2: {  	[smem:$0x3F99] =	sst lr;
	_ =	strace $0xD0000000  }
0x3: {  	_ = 	snop  }
0x4: {  	_ = 	snop  }
0x5: {  	_ = 	snop  }
0x6: {  	_ = 	snop  }
0x7: {  	_ = 	snop  }
__scs_overlays_trampoline_lowered:
0x8: {  	[smem:$0x3FA8] =	sst s0  }
0x9: {  	[smem:$0x3FA9] =	sst s1  }
0xa: {  	[smem:$0x3FAA] =	sst s2  }
0xb: {  	[smem:$0x3FAB] =	sst s3  }
0xc: {  	[smem:$0x3FAC] =	sst s4  }
0xd: {  	[smem:$0x3FAD] =	sst s5  }
0xe: {  	[smem:$0x3FAE] =	sst s6  }
0xf: {  	[smem:$0x3FAF] =	sst s7  }
0x10: {  	[smem:$0x3FB0] =	sst s8  }
0x11: {  	[smem:$0x3FB1] =	sst s9;
	s0 =	simm.s32 @!p0 $0x0  }
0x12: {  	s1 =	sld [smem:$0x3F97];
	s0 =	simm.s32 @p0 $0x1  }
0x13: {  	[smem:$0x3FB2] =	sst s0;
	s0 =	simm.s32 @!p1 $0x0  }
0x14: {  	s2 =	sld [smem:$0x3F96];
	s0 =	simm.s32 @p1 $0x1  }
0x15: {  	[smem:$0x3FB3] =	sst s0;
	s0 =	simm.s32 @!p2 $0x0  }
0x16: {  	s3 =	sld [smem:$0x3FDB];
	s0 =	simm.s32 @p2 $0x1  }
0x17: {  	s4 =	simm.s32 $0x1BF5;
	[smem:$0x3FB5] =	sst s0  }
0x18: {  	s0 =	sld [smem:$0x3F98];
	_ =	swait.ge [sflag:s4], $0x0  }
0x19: {  	s7 =	sld [smem:$0x3F99]  }
0x1a: {  	s8 =	sadd.s32 $0xFFFFE003, lr  }
0x1b: {  	s9 =	sadd.s32 $0xFFFFFEF7, lr;
	s5 =	simm.s32 $0xFFFFFFFF;
	p2 =	slt.u32 s8, $0xFFFFF086  }
0x1c: {  	p1 =	slt.u32 s9, $0xF7A;
	s5 =	simm.s32 @!p2 $0x0  }
0x1d: {  	s5 =	simm.s32 @p1 $0x1;
	p0 =	seq.s32 s7, s2  }
0x1e: {  	s7 =	smul.u32 @!p0 $0xF7A, s2;
	p2 =	seq.s32 @!p0 s5, $0x0  }
0x1f: {  	s9 =	smul.u32 $0xF7A, s1;
	s8 =	simm.s32 @!p0 $0x1BF5;
	p2 =	por !p2, p0  }
0x20: {  	[sflag:s8] =	ssyncset.s32 @!p0 $0xFFFFF086;
	s6 =	sadd.s32 @!p0 s3, s7;
	s7 =	simm.s32 @!p0 $0x108  }
0x21: {  	s3 =	sadd.s32 s3, s9;
	s6 =	sadd.s32 @!p0 $0x88, s6;
	s7 =	simm.s32 @p2 $0x1082  }
0x22: {  	[simem:s7], [sflag:s8] =	dma.local @!p0 [hbm:s6], $0xF7A  }
0x23: {  	s9 =	sor.u32 $0xD0000000, s2;
	s6 =	simm.s32 $0x108;
	_ =	swait.ge @!p0 [sflag:s8], $0x0  }
0x24: {  	s3 =	sadd.s32 $0x88, s3;
	s6 =	simm.s32 @!p1 $0x1082;
	[sflag:s4] =	ssyncset.s32 $0xFFFFF086  }
0x25: {  	[simem:s6], [sflag:s4] =	dma.local [hbm:s3], $0xF7A  }
0x26: {  	[smem:$0x3F99] =	sst s1;
	(tag) =	ssettag s2;
	_ =	strace s9  }
0x27: {  	s1 =	sld [smem:$0x3FA9]  }
0x28: {  	s2 =	sld [smem:$0x3FAA]  }
0x29: {  	s4 =	sld [smem:$0x3FAC]  }
0x2a: {  	p0 =	seq.s32 s5, $0x0;
	s5 =	sld [smem:$0x3FAD]  }
0x2b: {  	s6 =	sld [smem:$0x3FAE]  }
0x2c: {  	s7 =	sld [smem:$0x3FAF]  }
0x2d: {  	s3 =	simm.s32 $0x108;
	s8 =	sld [smem:$0x3FB0]  }
0x2e: {  	s3 =	simm.s32 @!p0 $0x1082;
	s9 =	sld [smem:$0x3FB1]  }
0x2f: {  	lr =	sadd.s32 s0, s3;
	s0 =	sld [smem:$0x3FA8]  }
0x30: {  	s3 =	sld [smem:$0x3FAB]  }
0x31: {  	[smem:$0x3FB4] =	sst s10  }
0x32: {  	s10 =	sld [smem:$0x3FB2];
	_ =	sdelay $0x3  }
0x33: {  	p0 =	seq.s32 s10, $0x1;
	s10 =	sld [smem:$0x3FB4];
	_ =	sdelay $0x3  }
0x34: {  	[smem:$0x3FB4] =	sst s10  }
0x35: {  	s10 =	sld [smem:$0x3FB3];
	_ =	sdelay $0x3  }
0x36: {  	p1 =	seq.s32 s10, $0x1;
	s10 =	sld [smem:$0x3FB4];
	_ =	sdelay $0x3  }
0x37: {  	[smem:$0x3FB4] =	sst s10  }
0x38: {  	s10 =	sld [smem:$0x3FB5]  }
0x39: {  	_ = 	snop;
	(pc) =	sbr.ind lr, $3  }
0x3a: {  	_ = 	snop  }
0x3b: {  	_ = 	snop  }
0x3c: {  	p2 =	seq.s32 s10, $0x1;
	s10 =	sld [smem:$0x3FB4]  }
0x3d: {  	_ =	shalt  }
0x3e: {  	_ =	shalt  }
0x3f: {  	_ =	shalt  }
0x40: {  	_ =	shalt  }
0x41: {  	_ =	shalt  }
0x42: {  	_ =	shalt  }
0x43: {  	_ =	shalt  }
0x44: {  	_ =	shalt  }
0x45: {  	_ =	shalt  }
0x46: {  	_ =	shalt  }
0x47: {  	_ =	shalt  }
0x48: {  	_ =	shalt  }
0x49: {  	_ =	shalt  }
0x4a: {  	_ =	shalt  }
0x4b: {  	_ =	shalt  }
0x4c: {  	_ =	shalt  }
0x4d: {  	_ =	shalt  }
0x4e: {  	_ =	shalt  }
0x4f: {  	_ =	shalt  }
0x50: {  	_ =	shalt  }
0x51: {  	_ =	shalt  }
0x52: {  	_ =	shalt  }
0x53: {  	_ =	shalt  }
0x54: {  	_ =	shalt  }
0x55: {  	_ =	shalt  }
0x56: {  	_ =	shalt  }
0x57: {  	_ =	shalt  }
0x58: {  	_ =	shalt  }
0x59: {  	_ =	shalt  }
0x5a: {  	_ =	shalt  }
0x5b: {  	_ =	shalt  }
0x5c: {  	_ =	shalt  }
0x5d: {  	_ =	shalt  }
0x5e: {  	_ =	shalt  }
0x5f: {  	_ =	shalt  }
0x60: {  	_ =	shalt  }
0x61: {  	_ =	shalt  }
0x62: {  	_ =	shalt  }
0x63: {  	_ =	shalt  }
0x64: {  	_ =	shalt  }
0x65: {  	_ =	shalt  }
0x66: {  	_ =	shalt  }
0x67: {  	_ =	shalt  }
0x68: {  	_ =	shalt  }
0x69: {  	_ =	shalt  }
0x6a: {  	_ =	shalt  }
0x6b: {  	_ =	shalt  }
0x6c: {  	_ =	shalt  }
0x6d: {  	_ =	shalt  }
0x6e: {  	_ =	shalt  }
0x6f: {  	_ =	shalt  }
0x70: {  	_ =	shalt  }
0x71: {  	_ =	shalt  }
0x72: {  	_ =	shalt  }
0x73: {  	_ =	shalt  }
0x74: {  	_ =	shalt  }
0x75: {  	_ =	shalt  }
0x76: {  	_ =	shalt  }
0x77: {  	_ =	shalt  }
0x78: {  	_ =	shalt  }
0x79: {  	_ =	shalt  }
0x7a: {  	_ =	shalt  }
0x7b: {  	_ =	shalt  }
0x7c: {  	_ =	shalt  }
0x7d: {  	_ =	shalt  }
0x7e: {  	_ =	shalt  }
0x7f: {  	_ =	shalt  }
0x80: {  	_ =	shalt  }
0x81: {  	_ =	shalt  }
0x82: {  	_ =	shalt  }
0x83: {  	_ =	shalt  }
0x84: {  	_ =	shalt  }
0x85: {  	_ =	shalt  }
0x86: {  	_ =	shalt  }
0x87: {  	_ =	shalt  }
.Lfunc_end0:
.L_simem_size_0:
called_computation.2_lowered:
.L_overlay_start_0:
0x88: {  	s2 =	sld [smem:$0x3FD9]  }
0x89: {  	s3 =	sld [smem:$0x3FFE];
	_ =	sdelay $0x1  }
0x8a: {  	s1 =	srdreg.scid  }
0x8b: {  	s0 =	sand.u32 $0x1, s1  }
0x8c: {  	s17 =	sshll.u32 s0, $0xA;
	s2 =	sadd.s32 s3, s2  }
0x8d: {  	s2 =	sadd.s32 s2, s17  }
0x8e: {  	[smem:$0x3FC0] =	sst s2  }
0x8f: {  	_ = 	snop  }
0x90: {  	s2 =	sld [smem:$0x3FD0];
	(tm) =	ssettm $0x1  }
0x91: {  	s18 =	sld [smem:$0x3FFB];
	_ =	sdelay $0x3  }
0x92: {  	_ =	strace s18  }
0x93: {  	s3 =	sld [smem:$0x3FFC];
	_ =	sdelay $0x3  }
0x94: {  	_ =	strace s3  }
0x95: {  	s3 =	sld [smem:$0x3FFD];
	_ =	sdelay $0x3  }
0x96: {  	_ =	strace s3  }
0x97: {  	_ =	strace $0x8FFFFFFF  }
0x98: {  	s19 =	sld [smem:$0x3FDB];
	_ =	sdelay $0x1  }
0x99: {  	s4 =	simm.s32 $_scs_section_size  }
0x9a: {  	s5 =	simm.s32 $_size__tile_overlayer_lowered;
	s6 =	simm.s32 $_tile_overlayer_lowered  }
0x9b: {  	s22 =	simm.s32 $0x1BFF;
	s21 =	sshll.u32 s6, $0x1;
	s3 =	sadd.s32 s4, s19  }
0x9c: {  	s7 =	simm.s32 $0x0;
	s20 =	sshll.u32 s5, $0x1;
	s5 =	sadd.s32 s21, s3  }
0x9d: {  	[timem:s7], [sflag:s22] =	dma.local [hbm:s5], s20  }
0x9e: {  	_ =	swait.ge [sflag:s22], s20  }
0x9f: {  	s4 =	ssub.s32 $0x0, s20;
	[sflag:s22] =	ssyncset.done $0x0  }
0xa0: {  	[sflag:s22] =	ssyncadd.s32 s4;
	_ =	sdelay $0x1  }
0xa1: {  	s23 =	simm.s32 $0x1B8B  }
0xa2: {  	_ =	swait.ge [sflag:s23], $0x1  }
0xa3: {  	[sflag:s23] =	ssyncset.done $0x0  }
0xa4: {  	s25 =	simm.s32 $0x1B8E;
	s24 =	sld [smem:$0x3FFE];
	[sflag:s23] =	ssyncadd.s32 $0xFFFFFFFF  }
0xa5: {  	s26 =	simm.s32 $execute0_lowered;
	[smem:$0x3FD2] =	sst s25  }
0xa6: {  	s5 =	sshll.u32 s26, $0x1;
	_ =	strace $0x8000004C;
	[dreg:$0x1] =	wrdreg $0xFFFFFFFF  }
0xa7: {  	s28 =	simm.s32 $_size_execute0_lowered;
	s3 =	sadd.s32 s3, s5;
	[dreg:$0x0] =	wrdreg $0x0  }
0xa8: {  	s5 =	sshll.u32 s28, $0x1;
	[dreg:$0x2] =	wrdreg s3  }
0xa9: {  	[dreg:$0x3] =	wrdreg s5  }
0xaa: {  	[dreg:$0x4] =	wrdreg $0xC0  }
0xab: {  	_ =	task [dreg:s7], $0x5FFFF  }
0xac: {  	[dreg:$0x1] =	wrdreg $0xFFFFFFFF  }
0xad: {  	[dreg:$0x0] =	wrdreg $0x60  }
0xae: {  	[dreg:$0x2] =	wrdreg s24  }
0xaf: {  	[dreg:$0x3] =	wrdreg s2  }
0xb0: {  	[dreg:$0x4] =	wrdreg $0x69000  }
0xb1: {  	[dreg:$0x5] =	wrdreg $0x9  }
0xb2: {  	_ =	task.clear_ibuf [dreg:s7], $0x6FFFF;
	_ =	strace $0x9000004C  }
0xb3: {  	s29 =	simm.s32 $0x9;
	_ =	strace $0x8000004E  }
0xb4: {  	_ =	swait.ge [sflag:s29], $0x1  }
0xb5: {  	[sflag:s29] =	ssyncadd.s32 $0xFFFFFFFF  }
0xb6: {  	_ =	strace $0x9000004E  }
0xb7: {  	_ =	sfence  }
0xb8: {  	s30 =	sld [smem:$0x0];
	_ =	sdelay $0x2  }
0xb9: {  	s31 =	sshll.u32 s1, $0xD;
	s1 =	sshrl.u32 s1, $0x2  }
0xba: {  	s3 =	sand.u32 $0x4000, s31;
	s1 =	sadd.s32 s1, s30  }
0xbb: {  	s0 =	sor.u32 s3, s0;
	s1 =	sshll.u32 s1, $0x11  }
0xbc: {  	s0 =	sor.u32 s1, s0  }
0xbd: {  	s0 =	sadd.s32 $0x8F2B, s0  }
0xbe: {  	[sflag:s0] =	ssyncadd.remote.s32 $0x1  }
0xbf: {  	_ =	sfence.sel $0xFFFF  }
0xc0: {  	[dreg:$0x0] =	wrdreg $0xFFFFFFFF;
	(pc) =	sbr.abs _section_cstart, $3  }
0xc1: {  	[dreg:$0x1] =	wrdreg $0xFFFFFFFF  }
0xc2: {  	_ =	task.clear_ibuf [dreg:s7], $0x2FFFF;
	_ =	strace $0x9FFFFFFF  }
0xc3: {  	(tm) =	ssettm $0x7FFFFFFF  }
tec
execute0_lowered:
.L_overlay_start_1:
0x0: {  	(tag) =	ssettag $0x1  }
0x1: {  	s5 =	rddreg [dreg:$0x0]  }
0x2: {  	s2 =	rddreg [dreg:$0x1];
	s0 =	srdreg.scid  }
0x3: {  	s3 =	rddreg [dreg:$0x2];
	s1 =	stileid.u32  }
0x4: {  	s4 =	simm.s32 $0x0;
	s16 =	simm.s32 $0x2900;
	s17 =	simm.s32 $0x1  }
0x5: {  	s18 =	simm.s32 $0x80;
	s19 =	simm.s32 $0x50;
	s20 =	simm.s32 $0x100  }
0x6: {  	s6 =	sand.u32 $0x1, s0;
	s0 =	rddreg [dreg:$0x3];
	s8 =	smul.u32 $0x2710, s1  }
0x7: {  	s22 =	simm.s32 $0x0;
	[smem:$0x7FF] =	sst s4;
	s9 =	smul.u32 $0x13800, s1  }
0x8: {  	s26 =	sadd.s32 $0x15E00, s5;
	s30 =	smul.u32 $0x4E000, s1;
	s31 =	sshll.u32 s1, $0xE  }
0x9: {  	s14 =	sor.u32 $0x40, s1;
	p2 =	sne.s32 s1, $0xF;
	s7 =	smul.u32 $0x27100, s6  }
0xa: {  	_ =	strace $0x8000004D;
	s25 =	smul.u32 $0x138800, s6;
	s6 =	ssub.s32 $0x2, s6  }
0xb: {  	s13 =	sshll.u32 s14, $0xE;
	p0 =	sgt.u32 s14, $0x4D;
	s28 =	sshrl.u32 s6, $0x1  }
0xc: {  	s13 =	sadd.s32 s13, s3;
	p1 =	sne.s32 @p0 s1, $0xF;
	s7 =	sadd.s32 s8, s7  }
0xd: {  	s10 =	ssub.s32 s6, s28;
	s29 =	sadd.s32 s9, s25;
	s8 =	sshrl.u32 s25, $0x3  }
0xe: {  	s9 =	sshrl.u32 s30, $0x2;
	p1 =	por p1, !p0;
	s7 =	sshrl.u32 s7, $0x3  }
0xf: {  	s6 =	sshrl.u32 s29, $0x3;
	s21 =	sadd.s32 s9, s3;
	s9 =	sadd.s32 s31, s3  }
0x10: {  	s15 =	sadd.s32 s7, s5;
	s5 =	sadd.s32 $0x138000, s3;
	s6 =	sadd.s32 s26, s6  }
0x11: {  	s7 =	sadd.s32 s26, s8;
	s8 =	smax.u32 s10, $0x1;
	s10 =	sadd.s32 $0x40000, s9  }
0x12: {  	s11 =	sadd.s32 $0x80000, s9;
	s12 =	sadd.s32 $0xC0000, s9;
	s21 =	sshrl.u32 s21, $0x3  }
0x13: {  	v0 =	vimm.f32 $0.0e+00;
	s7 =	sadd.s32 $0x27000, s7;
	s14 =	sadd.s32 $0x2200, s15;
	s15 =	sadd.s32 $0xC000, s15  }
.LBB2_1:
0x14: {  	s23 =	simm.s32 $0x0;
	s24 =	simm.s32 $0x200  }
.LBB2_2:
0x15: {  	p3 =	sne.s32 s24, $0xFE00;
	[tilespmem:s23+$0x2970] =	vst v0  }
0x16: {  	[tilespmem:s23+$0x2900] =	vst v0  }
0x17: {  	[tilespmem:s23+$0x2910] =	vst v0  }
.Ltmp0:
0x18: {  	[tilespmem:s23+$0x2920] =	vst v0;
	(pc) =	sbr.rel @p3 .LBB2_2-.Ltmp0, $4  }
0x19: {  	[tilespmem:s23+$0x2930] =	vst v0  }
0x1a: {  	[tilespmem:s23+$0x2940] =	vst v0  }
0x1b: {  	[tilespmem:s23+$0x2950] =	vst v0  }
0x1c: {  	[tilespmem:s23+$0x2960] =	vst v0;
	s23 =	sshra.s32 s24, $0x2;
	s24 =	sadd.s32 $0x200, s24  }
0x1d: {  	[tilespmem:s23+$0x2970] =	vst v0  }
0x1e: {  	[tilespmem:s23+$0x2900] =	vst v0  }
0x1f: {  	[tilespmem:s23+$0x2910] =	vst v0  }
0x20: {  	[tilespmem:s23+$0x2920] =	vst v0  }
0x21: {  	[tilespmem:s23+$0x2930] =	vst v0  }
0x22: {  	[tilespmem:s23+$0x2940] =	vst v0  }
0x23: {  	[tilespmem:s23+$0x2950] =	vst v0  }
0x24: {  	[tilespmem:s23+$0x2960] =	vst v0  }
0x25: {  	[spmem:s9] =	stream.linear.scatter [tilespmem:s16], [sflag:$0x1], $0x4000, $0x38;
	[tilespmem:$0x1A180] =	vst v63  }
0x26: {  	_ =	swait.ge [sflag:s17], $0x4000  }
0x27: {  	[sflag:s17] =	ssyncset.done $0x0  }
0x28: {  	[sflag:s17] =	ssyncadd.s32 $0xFFFFC000  }
0x29: {  	[spmem:s10] =	stream.linear.scatter [tilespmem:s16], [sflag:$0x1], $0x4000, $0x38;
	[tilespmem:$0x1A180] =	vst v63  }
0x2a: {  	_ =	swait.ge [sflag:s17], $0x4000  }
0x2b: {  	[sflag:s17] =	ssyncset.done $0x0  }
0x2c: {  	[sflag:s17] =	ssyncadd.s32 $0xFFFFC000  }
0x2d: {  	[spmem:s11] =	stream.linear.scatter [tilespmem:s16], [sflag:$0x1], $0x4000, $0x38;
	[tilespmem:$0x1A180] =	vst v63  }
0x2e: {  	_ =	swait.ge [sflag:s17], $0x4000  }
0x2f: {  	[sflag:s17] =	ssyncset.done $0x0  }
0x30: {  	[sflag:s17] =	ssyncadd.s32 $0xFFFFC000  }
0x31: {  	[spmem:s12] =	stream.linear.scatter [tilespmem:s16], [sflag:$0x1], $0x4000, $0x38;
	[tilespmem:$0x1A180] =	vst v63  }
0x32: {  	_ =	swait.ge [sflag:s17], $0x4000  }
0x33: {  	[sflag:s17] =	ssyncset.done $0x0  }
0x34: {  	s23 =	simm.s32 @!p1 $0x2900;
	[sflag:s17] =	ssyncadd.s32 $0xFFFFC000  }
0x35: {  	[spmem:s5] =	stream.linear.scatter @!p1 [tilespmem:s23], [sflag:$0x1], $0x800, $0x38;
	[tilespmem:$0x1A180] =	vst v63  }
0x36: {  	s23 =	simm.s32 @!p1 $0x1  }
0x37: {  	_ =	swait.ge @!p1 [sflag:s23], $0x800  }
0x38: {  	[sflag:s23] =	ssyncset.done @!p1 $0x0  }
0x39: {  	[sflag:s23] =	ssyncadd.s32 @!p1 $0xFFFFF800;
	s23 =	simm.s32 @!p0 $0x2900  }
0x3a: {  	[spmem:s13] =	stream.linear.scatter @!p0 [tilespmem:s23], [sflag:$0x1], $0x4000, $0x38;
	[tilespmem:$0x1A180] =	vst v63  }
0x3b: {  	s23 =	simm.s32 @!p0 $0x1  }
0x3c: {  	_ =	swait.ge @!p0 [sflag:s23], $0x4000  }
0x3d: {  	[sflag:s23] =	ssyncset.done @!p0 $0x0  }
0x3e: {  	[sflag:s23] =	ssyncadd.s32 @!p0 $0xFFFFC000  }
0x3f: {  	s30 =	sadd.s32 $0x0, s15;
	[bflag:$0x0] =	sbarrier.arrive $0xFFFF  }
0x40: {  	[tilespmem:s4], [sflag:$0x1] =	stream.linear.gather [hbm4b:s30+s4], $0x50, $0x38;
	[tilespmem:$0x1A180] =	vst v63  }
0x41: {  	_ =	swait.ge [sflag:s17], $0x50  }
0x42: {  	[sflag:s17] =	ssyncset.done $0x0  }
0x43: {  	s31 =	sadd.s32 $0x0, s14;
	[sflag:s17] =	ssyncadd.s32 $0xFFFFFFB0  }
0x44: {  	[tilespmem:s18], [sflag:$0x1] =	stream.linear.gather [hbm4b:s31+s4], $0x50, $0x38;
	[tilespmem:$0x1A180] =	vst v63  }
0x45: {  	_ =	swait.ge [sflag:s17], $0x50  }
0x46: {  	[sflag:s17] =	ssyncset.done $0x0  }
0x47: {  	[sflag:s17] =	ssyncadd.s32 $0xFFFFFFB0  }
0x48: {  	[tilespmem:s20], [sflag:$0x1] =	stream.indirect.gather [hbm4b:s2+s19], $0x80, s4, s19, $0xb8;
	[tilespmem:$0x1A180] =	vst v63  }
0x49: {  	_ =	swait.ge [sflag:s17], $0x2800  }
0x4a: {  	[sflag:s17] =	ssyncset.done $0x0  }
0x4b: {  	[sflag:s17] =	ssyncadd.s32 $0xFFFFD800  }
0x4c: {  	[spmem:s3] =	stream.indirect.scatter.add.f32 [tilespmem:s20], [sflag:$0x1], $0x80, s18, s19, $0xb8;
	[tilespmem:$0x1A180] =	vst v63  }
0x4d: {  	_ =	swait.ge [sflag:s17], $0x2800  }
0x4e: {  	s24 =	simm.s32 $0x14;
	s23 =	simm.s32 $0xA;
	[sflag:s17] =	ssyncset.done $0x0  }
.LBB2_4:
0x4f: {  	s25 =	sadd.s32 s23, s15  }
0x50: {  	[sflag:s17] =	ssyncadd.s32 $0xFFFFD800;
	s26 =	smov.u32 s24;
	s28 =	sadd.s32 $0xA, s24  }
0x51: {  	[tilespmem:s4], [sflag:$0x1] =	stream.linear.gather [hbm4b:s25+s4], $0x50, $0x38;
	[tilespmem:$0x1A180] =	vst v63  }
0x52: {  	p3 =	sne.s32 s24, $0x4D8;
	_ =	swait.ge [sflag:s17], $0x50  }
0x53: {  	[sflag:s17] =	ssyncset.done $0x0  }
0x54: {  	s24 =	sadd.s32 s23, s14;
	s23 =	smov.u32 s26;
	[sflag:s17] =	ssyncadd.s32 $0xFFFFFFB0  }
0x55: {  	[tilespmem:s18], [sflag:$0x1] =	stream.linear.gather [hbm4b:s24+s4], $0x50, $0x38;
	[tilespmem:$0x1A180] =	vst v63  }
0x56: {  	_ =	swait.ge [sflag:s17], $0x50  }
0x57: {  	[sflag:s17] =	ssyncset.done $0x0  }
0x58: {  	[sflag:s17] =	ssyncadd.s32 $0xFFFFFFB0  }
0x59: {  	[tilespmem:s20], [sflag:$0x1] =	stream.indirect.gather [hbm4b:s2+s19], $0x80, s4, s19, $0xb8;
	[tilespmem:$0x1A180] =	vst v63  }
0x5a: {  	_ =	swait.ge [sflag:s17], $0x2800  }
.Ltmp1:
0x5b: {  	[sflag:s17] =	ssyncset.done $0x0;
	(pc) =	sbr.rel @p3 .LBB2_4-.Ltmp1, $4  }
0x5c: {  	[sflag:s17] =	ssyncadd.s32 $0xFFFFD800  }
0x5d: {  	[spmem:s3] =	stream.indirect.scatter.add.f32 [tilespmem:s20], [sflag:$0x1], $0x80, s18, s19, $0xb8;
	[tilespmem:$0x1A180] =	vst v63  }
0x5e: {  	_ =	swait.ge [sflag:s17], $0x2800  }
0x5f: {  	s24 =	smov.u32 s28;
	[sflag:s17] =	ssyncset.done $0x0  }
0x60: {  	s24 =	sadd.s32 s23, s15;
	[sflag:s17] =	ssyncadd.s32 $0xFFFFD800  }
0x61: {  	[tilespmem:s4], [sflag:$0x1] =	stream.linear.gather [hbm4b:s24+s4], $0x50, $0x38;
	[tilespmem:$0x1A180] =	vst v63  }
0x62: {  	_ =	swait.ge [sflag:s17], $0x50  }
0x63: {  	[sflag:s17] =	ssyncset.done $0x0  }
0x64: {  	s30 =	sadd.s32 s23, s14;
	[sflag:s17] =	ssyncadd.s32 $0xFFFFFFB0  }
0x65: {  	[tilespmem:s18], [sflag:$0x1] =	stream.linear.gather [hbm4b:s30+s4], $0x50, $0x38;
	[tilespmem:$0x1A180] =	vst v63  }
0x66: {  	_ =	swait.ge [sflag:s17], $0x50  }
0x67: {  	[sflag:s17] =	ssyncset.done $0x0  }
0x68: {  	[sflag:s17] =	ssyncadd.s32 $0xFFFFFFB0  }
0x69: {  	[tilespmem:s20], [sflag:$0x1] =	stream.indirect.gather [hbm4b:s2+s19], $0x80, s4, s19, $0xb8;
	[tilespmem:$0x1A180] =	vst v63  }
0x6a: {  	_ =	swait.ge [sflag:s17], $0x2800  }
0x6b: {  	[sflag:s17] =	ssyncset.done $0x0  }
0x6c: {  	[sflag:s17] =	ssyncadd.s32 $0xFFFFD800  }
0x6d: {  	[spmem:s3] =	stream.indirect.scatter.add.f32 [tilespmem:s20], [sflag:$0x1], $0x80, s18, s19, $0xb8;
	[tilespmem:$0x1A180] =	vst v63  }
0x6e: {  	_ =	swait.ge [sflag:s17], $0x2800  }
0x6f: {  	[sflag:s17] =	ssyncset.done $0x0  }
0x70: {  	s31 =	sshll.u32 s1, $0x6;
	[sflag:s17] =	ssyncadd.s32 $0xFFFFD800  }
0x71: {  	s23 =	sor.u32 $0x1C01, s31;
	[bflag:$0x0] =	sbarrier.arrive $0xFFFF  }
0x72: {  	[hbm:s6], [sflag:s23] =	dma.local [spmem:s21], $0x2700  }
0x73: {  	_ =	swait.ge [sflag:s17], $0x2700  }
0x74: {  	s22 =	sadd.s32 $0x1, s22;
	[sflag:s17] =	ssyncset.done $0x0  }
0x75: {  	s24 =	sshrl.u32 @!p2 s5, $0x3;
	p3 =	sne.s32 s22, s8;
	[sflag:s17] =	ssyncadd.s32 $0xFFFFD900  }
0x76: {  	[hbm:s7], [sflag:s23] =	dma.local @!p2 [spmem:s24], $0x100  }
.Ltmp2:
0x77: {  	_ = 	snop;
	(pc) =	sbr.rel @p3 .LBB2_1-.Ltmp2, $4  }
0x78: {  	s23 =	simm.s32 @!p2 $0x1  }
0x79: {  	_ =	swait.ge @!p2 [sflag:s23], $0x100  }
0x7a: {  	[sflag:s23] =	ssyncset.done @!p2 $0x0  }
0x7b: {  	[sflag:s23] =	ssyncadd.s32 @!p2 $0xFFFFFF00  }
0x7c: {  	_ =	sfence.sel $0x180000  }
0x7d: {  	[bflag:$0x0] =	sbarrier.arrive $0xFFFF  }
0x7e: {  	p0 =	sne.s32 s1, $0x0;
	_ =	strace $0x9000004D  }
0x7f: {  	s0 =	sadd.s32 @!p0 $0x100000, s0;
	[bflag:$0x2] =	sbarrier.arrive $0xFFFF  }
0x80: {  	[sflag:s0] =	ssyncadd.tile.s32 @!p0 $0x1;
	_ =	shalt  }
.Lfunc_end2:
_tile_overlayer_lowered:
.L_overlay_start_2:
0x81: {  	(tag) =	ssettag $0x2  }
0x82: {  	s0 =	rddreg [dreg:$0x0];
	s2 =	stileid.u32  }
0x83: {  	s1 =	rddreg [dreg:$0x1];
	p0 =	sne.s32 s2, $0x0  }
0x84: {  	s3 =	rddreg [dreg:$0x2];
	[bflag:$0x3] =	sbarrier.arrive $0xFFFF;
	s2 =	simm.s32 @!p0 $0x1C01  }
0x85: {  	[timem:s3], [sflag:s2] =	dma.local @!p0 [hbm:s0], s1  }
0x86: {  	s0 =	simm.s32 @!p0 $0x1  }
0x87: {  	_ =	swait.ge @!p0 [sflag:s0], s1  }
0x88: {  	s1 =	ssub.s32 @!p0 $0x0, s1;
	[sflag:s0] =	ssyncset.done @!p0 $0x0  }
0x89: {  	[sflag:s0] =	ssyncadd.s32 @!p0 s1  }
0x8a: {  	[bflag:$0x3] =	sbarrier.arrive $0xFFFF  }
0x8b: {  	_ =	shalt  }

// kernel: kernel.8.cloned.1.call-start
scs
__scs_entry_jumppad:
0x0: {  	(pc) =	sbr.rel $0x88, $3  }
0x1: {  	(tag) =	ssettag $0x0;
	lr =	simm.s32 $0x1  }
0x2: {  	[smem:$0x3F99] =	sst lr;
	_ =	strace $0xD0000000  }
0x3: {  	_ = 	snop  }
0x4: {  	_ = 	snop  }
0x5: {  	_ = 	snop  }
0x6: {  	_ = 	snop  }
0x7: {  	_ = 	snop  }
__scs_overlays_trampoline_lowered:
0x8: {  	[smem:$0x3FA8] =	sst s0  }
0x9: {  	[smem:$0x3FA9] =	sst s1  }
0xa: {  	[smem:$0x3FAA] =	sst s2  }
0xb: {  	[smem:$0x3FAB] =	sst s3  }
0xc: {  	[smem:$0x3FAC] =	sst s4  }
0xd: {  	[smem:$0x3FAD] =	sst s5  }
0xe: {  	[smem:$0x3FAE] =	sst s6  }
0xf: {  	[smem:$0x3FAF] =	sst s7  }
0x10: {  	[smem:$0x3FB0] =	sst s8  }
0x11: {  	[smem:$0x3FB1] =	sst s9;
	s0 =	simm.s32 @!p0 $0x0  }
0x12: {  	s1 =	sld [smem:$0x3F97];
	s0 =	simm.s32 @p0 $0x1  }
0x13: {  	[smem:$0x3FB2] =	sst s0;
	s0 =	simm.s32 @!p1 $0x0  }
0x14: {  	s2 =	sld [smem:$0x3F96];
	s0 =	simm.s32 @p1 $0x1  }
0x15: {  	[smem:$0x3FB3] =	sst s0;
	s0 =	simm.s32 @!p2 $0x0  }
0x16: {  	s3 =	sld [smem:$0x3FDB];
	s0 =	simm.s32 @p2 $0x1  }
0x17: {  	s4 =	simm.s32 $0x1BF5;
	[smem:$0x3FB5] =	sst s0  }
0x18: {  	s0 =	sld [smem:$0x3F98];
	_ =	swait.ge [sflag:s4], $0x0  }
0x19: {  	s7 =	sld [smem:$0x3F99]  }
0x1a: {  	s8 =	sadd.s32 $0xFFFFE003, lr  }
0x1b: {  	s9 =	sadd.s32 $0xFFFFFEF7, lr;
	s5 =	simm.s32 $0xFFFFFFFF;
	p2 =	slt.u32 s8, $0xFFFFF086  }
0x1c: {  	p1 =	slt.u32 s9, $0xF7A;
	s5 =	simm.s32 @!p2 $0x0  }
0x1d: {  	s5 =	simm.s32 @p1 $0x1;
	p0 =	seq.s32 s7, s2  }
0x1e: {  	s7 =	smul.u32 @!p0 $0xF7A, s2;
	p2 =	seq.s32 @!p0 s5, $0x0  }
0x1f: {  	s9 =	smul.u32 $0xF7A, s1;
	s8 =	simm.s32 @!p0 $0x1BF5;
	p2 =	por !p2, p0  }
0x20: {  	[sflag:s8] =	ssyncset.s32 @!p0 $0xFFFFF086;
	s6 =	sadd.s32 @!p0 s3, s7;
	s7 =	simm.s32 @!p0 $0x108  }
0x21: {  	s3 =	sadd.s32 s3, s9;
	s6 =	sadd.s32 @!p0 $0x88, s6;
	s7 =	simm.s32 @p2 $0x1082  }
0x22: {  	[simem:s7], [sflag:s8] =	dma.local @!p0 [hbm:s6], $0xF7A  }
0x23: {  	s9 =	sor.u32 $0xD0000000, s2;
	s6 =	simm.s32 $0x108;
	_ =	swait.ge @!p0 [sflag:s8], $0x0  }
0x24: {  	s3 =	sadd.s32 $0x88, s3;
	s6 =	simm.s32 @!p1 $0x1082;
	[sflag:s4] =	ssyncset.s32 $0xFFFFF086  }
0x25: {  	[simem:s6], [sflag:s4] =	dma.local [hbm:s3], $0xF7A  }
0x26: {  	[smem:$0x3F99] =	sst s1;
	(tag) =	ssettag s2;
	_ =	strace s9  }
0x27: {  	s1 =	sld [smem:$0x3FA9]  }
0x28: {  	s2 =	sld [smem:$0x3FAA]  }
0x29: {  	s4 =	sld [smem:$0x3FAC]  }
0x2a: {  	p0 =	seq.s32 s5, $0x0;
	s5 =	sld [smem:$0x3FAD]  }
0x2b: {  	s6 =	sld [smem:$0x3FAE]  }
0x2c: {  	s7 =	sld [smem:$0x3FAF]  }
0x2d: {  	s3 =	simm.s32 $0x108;
	s8 =	sld [smem:$0x3FB0]  }
0x2e: {  	s3 =	simm.s32 @!p0 $0x1082;
	s9 =	sld [smem:$0x3FB1]  }
0x2f: {  	lr =	sadd.s32 s0, s3;
	s0 =	sld [smem:$0x3FA8]  }
0x30: {  	s3 =	sld [smem:$0x3FAB]  }
0x31: {  	[smem:$0x3FB4] =	sst s10  }
0x32: {  	s10 =	sld [smem:$0x3FB2];
	_ =	sdelay $0x3  }
0x33: {  	p0 =	seq.s32 s10, $0x1;
	s10 =	sld [smem:$0x3FB4];
	_ =	sdelay $0x3  }
0x34: {  	[smem:$0x3FB4] =	sst s10  }
0x35: {  	s10 =	sld [smem:$0x3FB3];
	_ =	sdelay $0x3  }
0x36: {  	p1 =	seq.s32 s10, $0x1;
	s10 =	sld [smem:$0x3FB4];
	_ =	sdelay $0x3  }
0x37: {  	[smem:$0x3FB4] =	sst s10  }
0x38: {  	s10 =	sld [smem:$0x3FB5]  }
0x39: {  	_ = 	snop;
	(pc) =	sbr.ind lr, $3  }
0x3a: {  	_ = 	snop  }
0x3b: {  	_ = 	snop  }
0x3c: {  	p2 =	seq.s32 s10, $0x1;
	s10 =	sld [smem:$0x3FB4]  }
0x3d: {  	_ =	shalt  }
0x3e: {  	_ =	shalt  }
0x3f: {  	_ =	shalt  }
0x40: {  	_ =	shalt  }
0x41: {  	_ =	shalt  }
0x42: {  	_ =	shalt  }
0x43: {  	_ =	shalt  }
0x44: {  	_ =	shalt  }
0x45: {  	_ =	shalt  }
0x46: {  	_ =	shalt  }
0x47: {  	_ =	shalt  }
0x48: {  	_ =	shalt  }
0x49: {  	_ =	shalt  }
0x4a: {  	_ =	shalt  }
0x4b: {  	_ =	shalt  }
0x4c: {  	_ =	shalt  }
0x4d: {  	_ =	shalt  }
0x4e: {  	_ =	shalt  }
0x4f: {  	_ =	shalt  }
0x50: {  	_ =	shalt  }
0x51: {  	_ =	shalt  }
0x52: {  	_ =	shalt  }
0x53: {  	_ =	shalt  }
0x54: {  	_ =	shalt  }
0x55: {  	_ =	shalt  }
0x56: {  	_ =	shalt  }
0x57: {  	_ =	shalt  }
0x58: {  	_ =	shalt  }
0x59: {  	_ =	shalt  }
0x5a: {  	_ =	shalt  }
0x5b: {  	_ =	shalt  }
0x5c: {  	_ =	shalt  }
0x5d: {  	_ =	shalt  }
0x5e: {  	_ =	shalt  }
0x5f: {  	_ =	shalt  }
0x60: {  	_ =	shalt  }
0x61: {  	_ =	shalt  }
0x62: {  	_ =	shalt  }
0x63: {  	_ =	shalt  }
0x64: {  	_ =	shalt  }
0x65: {  	_ =	shalt  }
0x66: {  	_ =	shalt  }
0x67: {  	_ =	shalt  }
0x68: {  	_ =	shalt  }
0x69: {  	_ =	shalt  }
0x6a: {  	_ =	shalt  }
0x6b: {  	_ =	shalt  }
0x6c: {  	_ =	shalt  }
0x6d: {  	_ =	shalt  }
0x6e: {  	_ =	shalt  }
0x6f: {  	_ =	shalt  }
0x70: {  	_ =	shalt  }
0x71: {  	_ =	shalt  }
0x72: {  	_ =	shalt  }
0x73: {  	_ =	shalt  }
0x74: {  	_ =	shalt  }
0x75: {  	_ =	shalt  }
0x76: {  	_ =	shalt  }
0x77: {  	_ =	shalt  }
0x78: {  	_ =	shalt  }
0x79: {  	_ =	shalt  }
0x7a: {  	_ =	shalt  }
0x7b: {  	_ =	shalt  }
0x7c: {  	_ =	shalt  }
0x7d: {  	_ =	shalt  }
0x7e: {  	_ =	shalt  }
0x7f: {  	_ =	shalt  }
0x80: {  	_ =	shalt  }
0x81: {  	_ =	shalt  }
0x82: {  	_ =	shalt  }
0x83: {  	_ =	shalt  }
0x84: {  	_ =	shalt  }
0x85: {  	_ =	shalt  }
0x86: {  	_ =	shalt  }
0x87: {  	_ =	shalt  }
.Lfunc_end0:
.L_simem_size_0:
called_computation_lowered:
.L_overlay_start_0:
0x88: {  	s2 =	sld [smem:$0x3FD9]  }
0x89: {  	s3 =	sld [smem:$0x3FFE];
	_ =	sdelay $0x1  }
0x8a: {  	s1 =	srdreg.scid  }
0x8b: {  	s0 =	sand.u32 $0x1, s1  }
0x8c: {  	s16 =	sshll.u32 s0, $0xA;
	s2 =	sadd.s32 s3, s2  }
0x8d: {  	s2 =	sadd.s32 s2, s16  }
0x8e: {  	[smem:$0x3FC0] =	sst s2  }
0x8f: {  	_ = 	snop  }
0x90: {  	(tm) =	ssettm $0x1  }
0x91: {  	s17 =	sld [smem:$0x3FFB];
	_ =	sdelay $0x3  }
0x92: {  	_ =	strace s17  }
0x93: {  	s2 =	sld [smem:$0x3FFC];
	_ =	sdelay $0x3  }
0x94: {  	_ =	strace s2  }
0x95: {  	s2 =	sld [smem:$0x3FFD];
	_ =	sdelay $0x3  }
0x96: {  	_ =	strace s2  }
0x97: {  	_ =	strace $0x8FFFFFFF  }
0x98: {  	s18 =	sld [smem:$0x3FDB];
	_ =	sdelay $0x1  }
0x99: {  	s19 =	simm.s32 $_scs_section_size  }
0x9a: {  	s4 =	simm.s32 $_size__tile_overlayer_lowered;
	s5 =	simm.s32 $_tile_overlayer_lowered  }
0x9b: {  	s22 =	simm.s32 $0x1BFF;
	s21 =	sshll.u32 s5, $0x1;
	s2 =	sadd.s32 s19, s18  }
0x9c: {  	s6 =	simm.s32 $0x0;
	s20 =	sshll.u32 s4, $0x1;
	s4 =	sadd.s32 s21, s2  }
0x9d: {  	[timem:s6], [sflag:s22] =	dma.local [hbm:s4], s20  }
0x9e: {  	_ =	swait.ge [sflag:s22], s20  }
0x9f: {  	s3 =	ssub.s32 $0x0, s20;
	[sflag:s22] =	ssyncset.done $0x0  }
0xa0: {  	[sflag:s22] =	ssyncadd.s32 s3;
	_ =	sdelay $0x1  }
0xa1: {  	s23 =	simm.s32 $0x1B8B  }
0xa2: {  	_ =	swait.ge [sflag:s23], $0x1  }
0xa3: {  	[sflag:s23] =	ssyncset.done $0x0  }
0xa4: {  	s25 =	simm.s32 $0x1B8E;
	s24 =	sld [smem:$0x3FFE];
	[sflag:s23] =	ssyncadd.s32 $0xFFFFFFFF  }
0xa5: {  	s26 =	simm.s32 $execute0_lowered;
	[smem:$0x3FD2] =	sst s25  }
0xa6: {  	s4 =	sshll.u32 s26, $0x1;
	_ =	strace $0x80000046;
	[dreg:$0x1] =	wrdreg $0xFFFFFFFF  }
0xa7: {  	s28 =	simm.s32 $_size_execute0_lowered;
	s2 =	sadd.s32 s2, s4;
	[dreg:$0x0] =	wrdreg $0x0  }
0xa8: {  	s4 =	sshll.u32 s28, $0x1;
	[dreg:$0x2] =	wrdreg s2  }
0xa9: {  	[dreg:$0x3] =	wrdreg s4  }
0xaa: {  	[dreg:$0x4] =	wrdreg $0xC0  }
0xab: {  	_ =	task [dreg:s6], $0x5FFFF  }
0xac: {  	[dreg:$0x1] =	wrdreg $0xFFFFFFFF  }
0xad: {  	[dreg:$0x0] =	wrdreg $0x60  }
0xae: {  	[dreg:$0x2] =	wrdreg s24  }
0xaf: {  	[dreg:$0x3] =	wrdreg $0x69000  }
0xb0: {  	[dreg:$0x4] =	wrdreg $0x9  }
0xb1: {  	_ =	task.clear_ibuf [dreg:s6], $0x5FFFF;
	_ =	strace $0x90000046  }
0xb2: {  	s29 =	simm.s32 $0x9;
	_ =	strace $0x80000048  }
0xb3: {  	_ =	swait.ge [sflag:s29], $0x1  }
0xb4: {  	[sflag:s29] =	ssyncadd.s32 $0xFFFFFFFF  }
0xb5: {  	_ =	strace $0x90000048  }
0xb6: {  	_ =	sfence  }
0xb7: {  	s30 =	sld [smem:$0x0];
	_ =	sdelay $0x2  }
0xb8: {  	s31 =	sshll.u32 s1, $0xD;
	s1 =	sshrl.u32 s1, $0x2  }
0xb9: {  	s3 =	sand.u32 $0x4000, s31;
	s1 =	sadd.s32 s1, s30  }
0xba: {  	s0 =	sor.u32 s3, s0;
	s1 =	sshll.u32 s1, $0x11  }
0xbb: {  	s0 =	sor.u32 s1, s0  }
0xbc: {  	s0 =	sadd.s32 $0x8F2B, s0  }
0xbd: {  	[sflag:s0] =	ssyncadd.remote.s32 $0x1  }
0xbe: {  	_ =	sfence.sel $0xFFFF  }
0xbf: {  	[dreg:$0x0] =	wrdreg $0xFFFFFFFF;
	(pc) =	sbr.abs _section_cstart, $3  }
0xc0: {  	[dreg:$0x1] =	wrdreg $0xFFFFFFFF  }
0xc1: {  	_ =	task.clear_ibuf [dreg:s6], $0x2FFFF;
	_ =	strace $0x9FFFFFFF  }
0xc2: {  	(tm) =	ssettm $0x7FFFFFFF  }
0xc3: {  	_ =	shalt  }
tec
execute0_lowered:
.L_overlay_start_1:
0x0: {  	(tag) =	ssettag $0x1  }
0x1: {  	s4 =	rddreg [dreg:$0x0]  }
0x2: {  	s0 =	srdreg.scid;
	s2 =	rddreg [dreg:$0x1]  }
0x3: {  	s1 =	rddreg [dreg:$0x2];
	s5 =	sand.u32 $0x1, s0  }
0x4: {  	s3 =	simm.s32 $0x0;
	s0 =	stileid.u32;
	s6 =	smul.u32 $0x27100, s5  }
0x5: {  	s15 =	simm.s32 $0x1;
	s16 =	simm.s32 $0x50;
	s7 =	smul.u32 $0x2710, s0  }
0x6: {  	s17 =	simm.s32 $0x100;
	s19 =	simm.s32 $0x0;
	s25 =	smul.u32 $0x138800, s5  }
0x7: {  	[smem:$0x7FF] =	sst s3;
	s26 =	sadd.s32 $0x15E00, s4;
	s8 =	smul.u32 $0x13800, s0  }
0x8: {  	_ =	strace $0x80000047;
	s5 =	ssub.s32 $0x2, s5;
	s30 =	smul.u32 $0x4E000, s0  }
0x9: {  	s31 =	sshll.u32 s0, $0xE;
	s14 =	sor.u32 $0x40, s0;
	p2 =	sne.s32 s0, $0xF  }
0xa: {  	s28 =	sshrl.u32 s5, $0x1;
	s12 =	sshll.u32 s14, $0xE;
	p0 =	sgt.u32 s14, $0x4D  }
0xb: {  	s14 =	simm.s32 $0x2900;
	s6 =	sadd.s32 s7, s6;
	s8 =	sadd.s32 s8, s25  }
0xc: {  	s9 =	ssub.s32 s5, s28;
	s7 =	sshrl.u32 s25, $0x3;
	s12 =	sadd.s32 s12, s2  }
0xd: {  	p1 =	sne.s32 @p0 s0, $0xF;
	s6 =	sshrl.u32 s6, $0x3;
	s29 =	sshrl.u32 s8, $0x3  }
0xe: {  	s8 =	sshrl.u32 s30, $0x2;
	p1 =	por p1, !p0;
	s13 =	sadd.s32 s6, s4  }
0xf: {  	s4 =	sadd.s32 $0x138000, s2;
	s5 =	sadd.s32 s26, s29;
	s6 =	sadd.s32 s26, s7  }
0x10: {  	s18 =	sadd.s32 s8, s2;
	s7 =	sadd.s32 s31, s2;
	s8 =	smax.u32 s9, $0x1  }
0x11: {  	s6 =	sadd.s32 $0x27000, s6;
	s9 =	sadd.s32 $0x40000, s7;
	s10 =	sadd.s32 $0x80000, s7  }
0x12: {  	v0 =	vimm.f32 $1.000000000e+00;
	v1 =	vimm.f32 $0.0e+00;
	s11 =	sadd.s32 $0xC0000, s7;
	s13 =	sadd.s32 $0xC000, s13;
	s18 =	sshrl.u32 s18, $0x3  }
.LBB2_1:
0x13: {  	s20 =	simm.s32 $0x0;
	s21 =	simm.s32 $0x200  }
.LBB2_2:
0x14: {  	p3 =	sne.s32 s21, $0x9E00;
	[tilespmem:s20+$0x170] =	vst v0  }
0x15: {  	[tilespmem:s20+$0x100] =	vst v0  }
0x16: {  	[tilespmem:s20+$0x110] =	vst v0  }
.Ltmp0:
0x17: {  	[tilespmem:s20+$0x120] =	vst v0;
	(pc) =	sbr.rel @p3 .LBB2_2-.Ltmp0, $4  }
0x18: {  	[tilespmem:s20+$0x130] =	vst v0  }
0x19: {  	[tilespmem:s20+$0x140] =	vst v0  }
0x1a: {  	[tilespmem:s20+$0x150] =	vst v0  }
0x1b: {  	[tilespmem:s20+$0x160] =	vst v0;
	s20 =	sshra.s32 s21, $0x2;
	s21 =	sadd.s32 $0x200, s21  }
0x1c: {  	[tilespmem:s20+$0x170] =	vst v0  }
0x1d: {  	[tilespmem:s20+$0x100] =	vst v0  }
0x1e: {  	[tilespmem:s20+$0x110] =	vst v0  }
0x1f: {  	[tilespmem:s20+$0x120] =	vst v0  }
0x20: {  	[tilespmem:s20+$0x130] =	vst v0  }
0x21: {  	[tilespmem:s20+$0x140] =	vst v0  }
0x22: {  	[tilespmem:s20+$0x150] =	vst v0  }
0x23: {  	[tilespmem:s20+$0x160] =	vst v0;
	s20 =	simm.s32 $0x0;
	s21 =	simm.s32 $0x200  }
.LBB2_4:
0x24: {  	p3 =	sne.s32 s21, $0xFE00;
	[tilespmem:s20+$0x2970] =	vst v1  }
0x25: {  	[tilespmem:s20+$0x2900] =	vst v1  }
0x26: {  	[tilespmem:s20+$0x2910] =	vst v1  }
.Ltmp1:
0x27: {  	[tilespmem:s20+$0x2920] =	vst v1;
	(pc) =	sbr.rel @p3 .LBB2_4-.Ltmp1, $4  }
0x28: {  	[tilespmem:s20+$0x2930] =	vst v1  }
0x29: {  	[tilespmem:s20+$0x2940] =	vst v1  }
0x2a: {  	[tilespmem:s20+$0x2950] =	vst v1  }
0x2b: {  	[tilespmem:s20+$0x2960] =	vst v1;
	s20 =	sshra.s32 s21, $0x2;
	s21 =	sadd.s32 $0x200, s21  }
0x2c: {  	[tilespmem:s20+$0x2970] =	vst v1  }
0x2d: {  	[tilespmem:s20+$0x2900] =	vst v1  }
0x2e: {  	[tilespmem:s20+$0x2910] =	vst v1  }
0x2f: {  	[tilespmem:s20+$0x2920] =	vst v1  }
0x30: {  	[tilespmem:s20+$0x2930] =	vst v1  }
0x31: {  	[tilespmem:s20+$0x2940] =	vst v1  }
0x32: {  	[tilespmem:s20+$0x2950] =	vst v1  }
0x33: {  	[tilespmem:s20+$0x2960] =	vst v1  }
0x34: {  	[spmem:s7] =	stream.linear.scatter [tilespmem:s14], [sflag:$0x1], $0x4000, $0x38;
	[tilespmem:$0x1A180] =	vst v63  }
0x35: {  	_ =	swait.ge [sflag:s15], $0x4000  }
0x36: {  	[sflag:s15] =	ssyncset.done $0x0  }
0x37: {  	[sflag:s15] =	ssyncadd.s32 $0xFFFFC000  }
0x38: {  	[spmem:s9] =	stream.linear.scatter [tilespmem:s14], [sflag:$0x1], $0x4000, $0x38;
	[tilespmem:$0x1A180] =	vst v63  }
0x39: {  	_ =	swait.ge [sflag:s15], $0x4000  }
0x3a: {  	[sflag:s15] =	ssyncset.done $0x0  }
0x3b: {  	[sflag:s15] =	ssyncadd.s32 $0xFFFFC000  }
0x3c: {  	[spmem:s10] =	stream.linear.scatter [tilespmem:s14], [sflag:$0x1], $0x4000, $0x38;
	[tilespmem:$0x1A180] =	vst v63  }
0x3d: {  	_ =	swait.ge [sflag:s15], $0x4000  }
0x3e: {  	[sflag:s15] =	ssyncset.done $0x0  }
0x3f: {  	[sflag:s15] =	ssyncadd.s32 $0xFFFFC000  }
0x40: {  	[spmem:s11] =	stream.linear.scatter [tilespmem:s14], [sflag:$0x1], $0x4000, $0x38;
	[tilespmem:$0x1A180] =	vst v63  }
0x41: {  	_ =	swait.ge [sflag:s15], $0x4000  }
0x42: {  	[sflag:s15] =	ssyncset.done $0x0  }
0x43: {  	s20 =	simm.s32 @!p1 $0x2900;
	[sflag:s15] =	ssyncadd.s32 $0xFFFFC000  }
0x44: {  	[spmem:s4] =	stream.linear.scatter @!p1 [tilespmem:s20], [sflag:$0x1], $0x800, $0x38;
	[tilespmem:$0x1A180] =	vst v63  }
0x45: {  	s20 =	simm.s32 @!p1 $0x1  }
0x46: {  	_ =	swait.ge @!p1 [sflag:s20], $0x800  }
0x47: {  	[sflag:s20] =	ssyncset.done @!p1 $0x0  }
0x48: {  	[sflag:s20] =	ssyncadd.s32 @!p1 $0xFFFFF800;
	s20 =	simm.s32 @!p0 $0x2900  }
0x49: {  	[spmem:s12] =	stream.linear.scatter @!p0 [tilespmem:s20], [sflag:$0x1], $0x4000, $0x38;
	[tilespmem:$0x1A180] =	vst v63  }
0x4a: {  	s20 =	simm.s32 @!p0 $0x1  }
0x4b: {  	_ =	swait.ge @!p0 [sflag:s20], $0x4000  }
0x4c: {  	[sflag:s20] =	ssyncset.done @!p0 $0x0  }
0x4d: {  	[sflag:s20] =	ssyncadd.s32 @!p0 $0xFFFFC000  }
0x4e: {  	s31 =	sadd.s32 $0x0, s13;
	[bflag:$0x0] =	sbarrier.arrive $0xFFFF  }
0x4f: {  	[tilespmem:s3], [sflag:$0x1] =	stream.linear.gather [hbm4b:s31+s3], $0x50, $0x38;
	[tilespmem:$0x1A180] =	vst v63  }
0x50: {  	_ =	swait.ge [sflag:s15], $0x50  }
0x51: {  	[sflag:s15] =	ssyncset.done $0x0  }
0x52: {  	[sflag:s15] =	ssyncadd.s32 $0xFFFFFFB0  }
0x53: {  	[spmem:s2] =	stream.indirect.scatter.add.f32 [tilespmem:s17], [sflag:$0x1], $0x80, s3, s16, $0xb8;
	[tilespmem:$0x1A180] =	vst v63  }
0x54: {  	_ =	swait.ge [sflag:s15], $0x2800  }
0x55: {  	s21 =	simm.s32 $0x14;
	s20 =	simm.s32 $0xA;
	[sflag:s15] =	ssyncset.done $0x0  }
.LBB2_6:
0x56: {  	s22 =	sadd.s32 s20, s13  }
0x57: {  	[sflag:s15] =	ssyncadd.s32 $0xFFFFD800;
	s20 =	smov.u32 s21;
	s23 =	sadd.s32 $0xA, s21  }
0x58: {  	[tilespmem:s3], [sflag:$0x1] =	stream.linear.gather [hbm4b:s22+s3], $0x50, $0x38;
	[tilespmem:$0x1A180] =	vst v63  }
0x59: {  	p3 =	sne.s32 s21, $0x4D8;
	_ =	swait.ge [sflag:s15], $0x50  }
.Ltmp2:
0x5a: {  	[sflag:s15] =	ssyncset.done $0x0;
	(pc) =	sbr.rel @p3 .LBB2_6-.Ltmp2, $4  }
0x5b: {  	[sflag:s15] =	ssyncadd.s32 $0xFFFFFFB0  }
0x5c: {  	[spmem:s2] =	stream.indirect.scatter.add.f32 [tilespmem:s17], [sflag:$0x1], $0x80, s3, s16, $0xb8;
	[tilespmem:$0x1A180] =	vst v63  }
0x5d: {  	_ =	swait.ge [sflag:s15], $0x2800  }
0x5e: {  	s21 =	smov.u32 s23;
	[sflag:s15] =	ssyncset.done $0x0  }
0x5f: {  	s20 =	sadd.s32 s20, s13;
	[sflag:s15] =	ssyncadd.s32 $0xFFFFD800  }
0x60: {  	[tilespmem:s3], [sflag:$0x1] =	stream.linear.gather [hbm4b:s20+s3], $0x50, $0x38;
	[tilespmem:$0x1A180] =	vst v63  }
0x61: {  	_ =	swait.ge [sflag:s15], $0x50  }
0x62: {  	[sflag:s15] =	ssyncset.done $0x0  }
0x63: {  	[sflag:s15] =	ssyncadd.s32 $0xFFFFFFB0  }
0x64: {  	[spmem:s2] =	stream.indirect.scatter.add.f32 [tilespmem:s17], [sflag:$0x1], $0x80, s3, s16, $0xb8;
	[tilespmem:$0x1A180] =	vst v63  }
0x65: {  	_ =	swait.ge [sflag:s15], $0x2800  }
0x66: {  	[sflag:s15] =	ssyncset.done $0x0  }
0x67: {  	s31 =	sshll.u32 s0, $0x6;
	[sflag:s15] =	ssyncadd.s32 $0xFFFFD800  }
0x68: {  	s20 =	sor.u32 $0x1C01, s31;
	[bflag:$0x0] =	sbarrier.arrive $0xFFFF  }
0x69: {  	[hbm:s5], [sflag:s20] =	dma.local [spmem:s18], $0x2700  }
0x6a: {  	_ =	swait.ge [sflag:s15], $0x2700  }
0x6b: {  	s19 =	sadd.s32 $0x1, s19;
	[sflag:s15] =	ssyncset.done $0x0  }
0x6c: {  	s21 =	sshrl.u32 @!p2 s4, $0x3;
	p3 =	sne.s32 s19, s8;
	[sflag:s15] =	ssyncadd.s32 $0xFFFFD900  }
0x6d: {  	[hbm:s6], [sflag:s20] =	dma.local @!p2 [spmem:s21], $0x100  }
.Ltmp3:
0x6e: {  	_ = 	snop;
	(pc) =	sbr.rel @p3 .LBB2_1-.Ltmp3, $4  }
0x6f: {  	s20 =	simm.s32 @!p2 $0x1  }
0x70: {  	_ =	swait.ge @!p2 [sflag:s20], $0x100  }
0x71: {  	[sflag:s20] =	ssyncset.done @!p2 $0x0  }
0x72: {  	[sflag:s20] =	ssyncadd.s32 @!p2 $0xFFFFFF00  }
0x73: {  	_ =	sfence.sel $0x180000  }
0x74: {  	[bflag:$0x0] =	sbarrier.arrive $0xFFFF  }
0x75: {  	p0 =	sne.s32 s0, $0x0;
	_ =	strace $0x90000047  }
0x76: {  	s0 =	sadd.s32 @!p0 $0x100000, s1;
	[bflag:$0x2] =	sbarrier.arrive $0xFFFF  }
0x77: {  	[sflag:s0] =	ssyncadd.tile.s32 @!p0 $0x1;
	_ =	shalt  }
.Lfunc_end2:
_tile_overlayer_lowered:
.L_overlay_start_2:
0x78: {  	(tag) =	ssettag $0x2  }
0x79: {  	s0 =	rddreg [dreg:$0x0];
	s2 =	stileid.u32  }
0x7a: {  	s1 =	rddreg [dreg:$0x1];
	p0 =	sne.s32 s2, $0x0  }
0x7b: {  	s3 =	rddreg [dreg:$0x2];
	[bflag:$0x3] =	sbarrier.arrive $0xFFFF;
	s2 =	simm.s32 @!p0 $0x1C01  }
0x7c: {  	[timem:s3], [sflag:s2] =	dma.local @!p0 [hbm:s0], s1  }
0x7d: {  	s0 =	simm.s32 @!p0 $0x1  }
0x7e: {  	_ =	swait.ge @!p0 [sflag:s0], s1  }
0x7f: {  	s1 =	ssub.s32 @!p0 $0x0, s1;
	[sflag:s0] =	ssyncset.done @!p0 $0x0  }
0x80: {  	[sflag:s0] =	ssyncadd.s32 @!p0 s1  }
0x81: {  	[bflag:$0x3] =	sbarrier.arrive $0xFFFF  }
0x82: {  	_ =	shalt  }

</sc_bundles>
